<compile_context>
chip_gen: v7x
topology: tpu7x:2x2x1
jax: 0.10.2.dev20260603
libtpu: 0.0.44.dev20260713+nightly
codegen_flags: <defaults>
</compile_context>

<pallas_src>
import jax
import jax.numpy as jnp
from jax.experimental import pallas as pl
from jax.experimental.pallas import tpu as pltpu
from jax.experimental.pallas import tpu_sc as plsc

N = 4096
D = 128
K = 2048

IB = 512
AB = 512
MB = 512
JB = 512
NMB = N // MB
NJB = K // JB
WIN = 128

F8 = jnp.float8_e4m3fn


def _rank_kernel(v_row_ref, v_col_ref, h_ref, g_ref, rank_i_ref, hv_ref,
                 gf8_ref):
    pid = pl.program_id(0)
    v_row = v_row_ref[...]
    v_col = v_col_ref[...]
    gt = v_row > v_col
    eq = v_row == v_col
    jj = jax.lax.broadcasted_iota(jnp.int32, (IB, N), 1)
    ii = jax.lax.broadcasted_iota(jnp.int32, (IB, N), 0) + pid * IB
    cnt = gt.astype(jnp.float32) + (eq & (jj < ii)).astype(jnp.float32)
    rank = jnp.sum(cnt, axis=1, keepdims=True)
    rank_i_ref[...] = rank.astype(jnp.int32)
    hv_ref[...] = h_ref[...] * v_col
    gf8_ref[...] = (g_ref[...] != 0).astype(F8)


def _build_a_kernel(rank_row_ref, gf8_ref, a_ref, m_scratch):
    pid = pl.program_id(0)

    @pl.when(pid == 0)
    def _():
        rank_row = rank_row_ref[...]
        for rc in range(K // IB):
            rr = jax.lax.broadcasted_iota(jnp.int32, (IB, N), 0) + (rc * IB)
            m_scratch[rc * IB:(rc + 1) * IB, :] = (rank_row == rr).astype(F8)

    a_ref[...] = jnp.dot(m_scratch[...], gf8_ref[...],
                         preferred_element_type=jnp.float32).astype(F8)


def _twohop_kernel(a_ref, gf8_ref, rank_row_ref, rank_col_ref, out_ref,
                   idx_ref, db_s, deg_s):
    s = pl.program_id(0)

    @pl.when(s < NMB)
    def _():
        d = jnp.dot(a_ref[...], gf8_ref[...],
                    preferred_element_type=jnp.float32)
        db_s[:, pl.ds(s * MB, MB)] = (d != 0.0).astype(F8)

    @pl.when(s == NMB - 1)
    def _():
        sel_row = (rank_row_ref[...] < K).astype(F8)
        deg_s[...] = jax.lax.dot_general(
            sel_row, db_s[...], (((1,), (1,)), ((), ())),
            preferred_element_type=jnp.float32)

    @pl.when(s >= NMB)
    def _():
        jc = s - NMB
        rank_col = rank_col_ref[...]
        jj = jax.lax.broadcasted_iota(jnp.int32, (N, JB), 1) + jc * JB
        pb = rank_col == jj
        c = jnp.dot(db_s[...], pb.astype(F8), preferred_element_type=jnp.float32)
        out_ref[...] = c / deg_s[0:1, pl.ds(jc * JB, JB)]
        mi = jax.lax.broadcasted_iota(jnp.int32, (N, JB), 0)
        idx_ref[...] = jnp.sum(jnp.where(pb, mi, 0), axis=0, keepdims=True)


def _sc_scatter_rows(hv, rank_i32):
    rank2 = rank_i32.reshape(1, N)
    mesh = plsc.VectorSubcoreMesh(core_axis_name="c", subcore_axis_name="s")

    @pl.kernel(out_type=jax.ShapeDtypeStruct((N, D), jnp.float32), mesh=mesh)
    def k(hv_hbm, r_hbm, o_hbm):
        def body(hv_vmem, r_vmem):
            pltpu.sync_copy(hv_vmem, o_hbm.at[r_vmem.at[0]])

        pltpu.emit_pipeline(
            body,
            grid=(N // WIN,),
            in_specs=[pl.BlockSpec((WIN, D), lambda i: (i, 0)),
                      pl.BlockSpec((1, WIN), lambda i: (0, i))],
            out_specs=[],
            core_axis_name=("c", "s"),
            dimension_semantics=(pltpu.PARALLEL,),
        )(hv_hbm, r_hbm)

    return k(hv, rank2)


def kernel(g, h, W, b):
    weights = (h @ W + b).squeeze(-1)
    v = jax.nn.sigmoid(weights)
    v_row = v.reshape(1, N)
    v_col = v.reshape(N, 1)

    rank_i, hv, gf8 = pl.pallas_call(
        _rank_kernel,
        grid=(N // IB,),
        in_specs=[
            pl.BlockSpec((1, N), lambda i: (0, 0)),
            pl.BlockSpec((IB, 1), lambda i: (i, 0)),
            pl.BlockSpec((IB, D), lambda i: (i, 0)),
            pl.BlockSpec((IB, N), lambda i: (i, 0)),
        ],
        out_specs=[
            pl.BlockSpec((IB, 1), lambda i: (i, 0)),
            pl.BlockSpec((IB, D), lambda i: (i, 0)),
            pl.BlockSpec((IB, N), lambda i: (i, 0)),
        ],
        out_shape=[
            jax.ShapeDtypeStruct((N, 1), jnp.int32),
            jax.ShapeDtypeStruct((N, D), jnp.float32),
            jax.ShapeDtypeStruct((N, N), F8),
        ],
    )(v_row, v_col, h, g)

    scat = _sc_scatter_rows(hv, rank_i)

    rank_row = rank_i.reshape(1, N)

    a = pl.pallas_call(
        _build_a_kernel,
        grid=(N // AB,),
        in_specs=[
            pl.BlockSpec((1, N), lambda i: (0, 0)),
            pl.BlockSpec((N, AB), lambda i: (0, i)),
        ],
        out_specs=pl.BlockSpec((K, AB), lambda i: (0, i)),
        out_shape=jax.ShapeDtypeStruct((K, N), F8),
        scratch_shapes=[pltpu.VMEM((K, N), F8)],
    )(rank_row, gf8)

    g_out, idx_row = pl.pallas_call(
        _twohop_kernel,
        grid=(NMB + NJB,),
        in_specs=[
            pl.BlockSpec((K, N), lambda s: (0, 0)),
            pl.BlockSpec((N, MB), lambda s: (0, jnp.minimum(s, NMB - 1))),
            pl.BlockSpec((1, N), lambda s: (0, 0)),
            pl.BlockSpec((N, 1), lambda s: (0, 0)),
        ],
        out_specs=[
            pl.BlockSpec((K, JB), lambda s: (0, jnp.maximum(s - NMB, 0))),
            pl.BlockSpec((1, JB), lambda s: (0, jnp.maximum(s - NMB, 0))),
        ],
        out_shape=[
            jax.ShapeDtypeStruct((K, K), jnp.float32),
            jax.ShapeDtypeStruct((1, K), jnp.int32),
        ],
        scratch_shapes=[pltpu.VMEM((K, N), F8),
                        pltpu.VMEM((1, K), jnp.float32)],
    )(a, gf8, rank_row, rank_i)

    return (g_out, scat[:K], idx_row.reshape(K))

# --- scband reference (transcript-rebuilt; emitter-appended) ---
"""Pipeline reference for scband-graph-unet-8933531976315 (READ-ONLY COPY).

The authoritative reference and input builder live on the scoring server;
editing this copy changes nothing except your own understanding.
"""

import jax, jax.numpy as jnp
import numpy as np

K_RATIO = 0.5  # Pool.k


def setup_inputs(seed: int = 0) -> dict:
    key = jax.random.key(seed)
    k1, k2, k3 = jax.random.split(key, 3)
    N = 4096
    D = 128
    # dense 0/1 adjacency (as produced by to_dense_adj), ~50% density
    g = jax.random.randint(k1, (N, N), 0, 2, dtype=jnp.int32)
    h = jax.random.normal(k2, (N, D), dtype=jnp.float32)
    # Pool.proj = nn.Linear(in_dim, 1) parameters
    W = jax.random.normal(k3, (D, 1), dtype=jnp.float32) * 0.05
    b = jnp.zeros((1,), dtype=jnp.float32)
    return {"g": g, "h": h, "W": W, "b": b}


def reference(g, h, W, b):
    # Pool.forward: drop (p=0 -> identity), proj, sigmoid, top_k_graph
    Z = h  # Dropout(p=0.0) == Identity
    weights = (Z @ W + b).squeeze(-1)           # proj(Z).squeeze()
    scores = jax.nn.sigmoid(weights)

    # top_k_graph(scores, g, h, k)
    num_nodes = g.shape[0]
    kk = max(2, int(K_RATIO * num_nodes))
    values, idx = jax.lax.top_k(scores, kk)    # torch.topk
    new_h = h[idx, :] * values[:, None]        # gate kept nodes by scores

    un_g = (g != 0).astype(jnp.float32)        # g.bool().float()
    un_g = ((un_g @ un_g) != 0).astype(jnp.float32)  # two-hop connectivity
    un_g = un_g[idx, :]
    un_g = un_g[:, idx]

    # norm_g: torch broadcasting divides by COLUMN degrees (degrees shape [n] -> [1,n])
    degrees = jnp.sum(un_g, axis=1)
    g_out = un_g / degrees
    return (g_out, new_h, idx)

if __name__ == "__main__":
    import jax
    _d = setup_inputs()
    print(jax.jit(kernel)(*tuple(_d.values())))

</pallas_src>

<mosaic_0001>
#map = affine_map<(d0, d1) -> (0, 0)>
module attributes {stable_mosaic.version = 14 : i64} {
  func.func @k(%arg0: i32, %arg1: i32, %arg2: memref<4096x128xf32, #tpu.memory_space<hbm>>, %arg3: memref<1x4096xi32, #tpu.memory_space<hbm>>, %arg4: memref<4096x128xf32, #tpu.memory_space<hbm>>) attributes {dimension_semantics = [#tpu.dimension_semantics<core_parallel>, #tpu.dimension_semantics<subcore_parallel>], iteration_bounds = array<i64: 2, 16>, scalar_prefetch = 0 : i64, scratch_operands = 0 : i64, tpu.core_type = #tpu.core_type<sc_vector_subcore>, window_params = [{transform_indices = #map}, {transform_indices = #map}, {transform_indices = #map}]} {
    %mul3A = arith.constant 1 : i32
    %mul3A_0 = arith.muli %arg1, %mul3A : i32
    %add3A = arith.constant 0 : i32
    %add3A_1 = arith.addi %add3A, %mul3A_0 : i32
    %mul3A_2 = arith.constant 16 : i32
    %mul3A_3 = arith.muli %arg0, %mul3A_2 : i32
    %add3A_4 = arith.addi %add3A_1, %mul3A_3 : i32
    %mul3A_5 = arith.constant 1 : i32
    %mul3A_6 = arith.muli %add3A_4, %mul3A_5 : i32
    "tpu.region"() ({
      %run_scoped3A = memref.alloca() : memref<2x128x128xf32, #tpu.memory_space<vmem>>
      %run_scoped3A_7 = tpu.sem_alloc : memref<2x!tpu.dma_semaphore, #tpu.memory_space<semaphore_mem>>
      %run_scoped3A_8 = memref.alloca() : memref<2x1x128xi32, #tpu.memory_space<vmem>>
      %run_scoped3A_9 = tpu.sem_alloc : memref<2x!tpu.dma_semaphore, #tpu.memory_space<semaphore_mem>>
      %add3A_10 = arith.constant 0 : i32
      %add3A_11 = arith.addi %add3A_10, %mul3A_6 : i32
      %select_n3A = arith.constant true
      %select_n3A_12 = arith.constant 0 : i32
      %select_n3A_13 = arith.constant -1 : i32
      %select_n3A_14 = arith.select %select_n3A, %select_n3A_13, %select_n3A_12 : i32
      %eq3A = arith.constant -1 : i32
      %eq3A_15 = arith.cmpi eq, %select_n3A_14, %eq3A : i32
      %select_n3A_16 = arith.constant 0 : i32
      %select_n3A_17 = arith.select %eq3A_15, %select_n3A_16, %select_n3A_14 : i32
      %add3A_18 = arith.constant 0 : i32
      %add3A_19 = arith.addi %add3A_18, %mul3A_6 : i32
      %select_n3A_20 = arith.constant true
      %select_n3A_21 = arith.constant 0 : i32
      %select_n3A_22 = arith.constant 1 : i32
      %select_n3A_23 = arith.select %select_n3A_20, %select_n3A_22, %select_n3A_21 : i32
      %eq3A_24 = arith.constant 1 : i32
      %eq3A_25 = arith.cmpi eq, %select_n3A_23, %eq3A_24 : i32
      %select_n3A_26 = arith.constant 0 : i32
      %select_n3A_27 = arith.select %eq3A_25, %select_n3A_26, %select_n3A_23 : i32
      %add3A_28 = arith.constant 0 : i32
      %add3A_29 = arith.addi %add3A_28, %mul3A_6 : i32
      %select_n3A_30 = arith.constant true
      %select_n3A_31 = arith.constant 0 : i32
      %select_n3A_32 = arith.constant 1 : i32
      %select_n3A_33 = arith.select %select_n3A_30, %select_n3A_32, %select_n3A_31 : i32
      %eq3A_34 = arith.constant 1 : i32
      %eq3A_35 = arith.cmpi eq, %select_n3A_33, %eq3A_34 : i32
      %select_n3A_36 = arith.constant 0 : i32
      %select_n3A_37 = arith.select %eq3A_35, %select_n3A_36, %select_n3A_33 : i32
      %add3A_38 = arith.constant 0 : i32
      %add3A_39 = arith.addi %add3A_38, %mul3A_6 : i32
      "tpu.trace_start"() <{level = 10 : i32, message = "ep_initialize_0"}> : () -> ()
      %rem3A = arith.constant 0 : i32
      %rem3A_40 = arith.constant 2 : i32
      %rem3A_41 = arith.remui %rem3A, %rem3A_40 : i32
      %mul3A_42 = arith.constant 128 : i32
      %mul3A_43 = arith.muli %mul3A_42, %add3A_11 : i32
      %dma_start3A = arith.constant 0 : i32
      %dma_start3A_44 = arith.constant 0 : i32
      %dma_start3A_45 = tpu.memref_slice %run_scoped3A[%rem3A_41, %dma_start3A, %dma_start3A_44] : memref<2x128x128xf32, #tpu.memory_space<vmem>> -> memref<1x128x128xf32, #tpu.memory_space<vmem>>
      %dma_start3A_46 = tpu.memref_squeeze %dma_start3A_45 : memref<1x128x128xf32, #tpu.memory_space<vmem>> -> memref<128x128xf32, #tpu.memory_space<vmem>>
      %dma_start3A_47 = arith.constant 0 : i32
      %dma_start3A_48 = tpu.memref_slice %arg2[%mul3A_43, %dma_start3A_47] : memref<4096x128xf32, #tpu.memory_space<hbm>> -> memref<128x128xf32, #tpu.memory_space<hbm>>
      %dma_start3A_49 = tpu.memref_slice %run_scoped3A_7[%rem3A_41] : memref<2x!tpu.dma_semaphore, #tpu.memory_space<semaphore_mem>> -> memref<1x!tpu.dma_semaphore, #tpu.memory_space<semaphore_mem>>
      %dma_start3A_50 = tpu.memref_squeeze %dma_start3A_49 : memref<1x!tpu.dma_semaphore, #tpu.memory_space<semaphore_mem>> -> memref<!tpu.dma_semaphore, #tpu.memory_space<semaphore_mem>>
      %dma_start3A_51 = arith.constant 0 : i32
      %dma_start3A_52 = arith.constant 0 : i32
      %dma_start3A_53 = tpu.memref_slice %run_scoped3A[%rem3A_41, %dma_start3A_51, %dma_start3A_52] : memref<2x128x128xf32, #tpu.memory_space<vmem>> -> memref<1x128x128xf32, #tpu.memory_space<vmem>>
      %dma_start3A_54 = tpu.memref_squeeze %dma_start3A_53 : memref<1x128x128xf32, #tpu.memory_space<vmem>> -> memref<128x128xf32, #tpu.memory_space<vmem>>
      %dma_start3A_55 = arith.constant 0 : i32
      %dma_start3A_56 = tpu.memref_slice %arg2[%mul3A_43, %dma_start3A_55] : memref<4096x128xf32, #tpu.memory_space<hbm>> -> memref<128x128xf32, #tpu.memory_space<hbm>>
      tpu.enqueue_dma source(%dma_start3A_56 : memref<128x128xf32, #tpu.memory_space<hbm>>) target(%dma_start3A_54 : memref<128x128xf32, #tpu.memory_space<vmem>>) target_semaphore(%dma_start3A_50 : memref<!tpu.dma_semaphore, #tpu.memory_space<semaphore_mem>>)
      %add3A_57 = arith.constant 0 : i32
      %add3A_58 = arith.constant 1 : i32
      %add3A_59 = arith.addi %add3A_57, %add3A_58 : i32
      %select_n3A_60 = arith.constant true
      %select_n3A_61 = arith.constant 0 : i32
      %select_n3A_62 = arith.select %select_n3A_60, %add3A_59, %select_n3A_61 : i32
      %rem3A_63 = arith.constant 0 : i32
      %rem3A_64 = arith.constant 2 : i32
      %rem3A_65 = arith.remui %rem3A_63, %rem3A_64 : i32
      %mul3A_66 = arith.constant 128 : i32
      %mul3A_67 = arith.muli %mul3A_66, %add3A_11 : i32
      %dma_start3A_68 = arith.constant 0 : i32
      %dma_start3A_69 = arith.constant 0 : i32
      %dma_start3A_70 = tpu.memref_slice %run_scoped3A_8[%rem3A_65, %dma_start3A_68, %dma_start3A_69] : memref<2x1x128xi32, #tpu.memory_space<vmem>> -> memref<1x1x128xi32, #tpu.memory_space<vmem>>
      %dma_start3A_71 = tpu.memref_squeeze %dma_start3A_70 : memref<1x1x128xi32, #tpu.memory_space<vmem>> -> memref<1x128xi32, #tpu.memory_space<vmem>>
      %dma_start3A_72 = arith.constant 0 : i32
      %dma_start3A_73 = tpu.memref_slice %arg3[%dma_start3A_72, %mul3A_67] : memref<1x4096xi32, #tpu.memory_space<hbm>> -> memref<1x128xi32, #tpu.memory_space<hbm>>
      %dma_start3A_74 = tpu.memref_slice %run_scoped3A_9[%rem3A_65] : memref<2x!tpu.dma_semaphore, #tpu.memory_space<semaphore_mem>> -> memref<1x!tpu.dma_semaphore, #tpu.memory_space<semaphore_mem>>
      %dma_start3A_75 = tpu.memref_squeeze %dma_start3A_74 : memref<1x!tpu.dma_semaphore, #tpu.memory_space<semaphore_mem>> -> memref<!tpu.dma_semaphore, #tpu.memory_space<semaphore_mem>>
      %dma_start3A_76 = arith.constant 0 : i32
      %dma_start3A_77 = arith.constant 0 : i32
      %dma_start3A_78 = tpu.memref_slice %run_scoped3A_8[%rem3A_65, %dma_start3A_76, %dma_start3A_77] : memref<2x1x128xi32, #tpu.memory_space<vmem>> -> memref<1x1x128xi32, #tpu.memory_space<vmem>>
      %dma_start3A_79 = tpu.memref_squeeze %dma_start3A_78 : memref<1x1x128xi32, #tpu.memory_space<vmem>> -> memref<1x128xi32, #tpu.memory_space<vmem>>
      %dma_start3A_80 = arith.constant 0 : i32
      %dma_start3A_81 = tpu.memref_slice %arg3[%dma_start3A_80, %mul3A_67] : memref<1x4096xi32, #tpu.memory_space<hbm>> -> memref<1x128xi32, #tpu.memory_space<hbm>>
      tpu.enqueue_dma source(%dma_start3A_81 : memref<1x128xi32, #tpu.memory_space<hbm>>) target(%dma_start3A_79 : memref<1x128xi32, #tpu.memory_space<vmem>>) target_semaphore(%dma_start3A_75 : memref<!tpu.dma_semaphore, #tpu.memory_space<semaphore_mem>>)
      %add3A_82 = arith.constant 0 : i32
      %add3A_83 = arith.constant 1 : i32
      %add3A_84 = arith.addi %add3A_82, %add3A_83 : i32
      %select_n3A_85 = arith.constant true
      %select_n3A_86 = arith.constant 0 : i32
      %select_n3A_87 = arith.select %select_n3A_85, %add3A_84, %select_n3A_86 : i32
      "tpu.trace_stop"() : () -> ()
      %scan3A = arith.constant 0 : i32
      %scan3A_88 = arith.constant 0 : i32
      %scan3A_89 = arith.constant 0 : i32
      %scan3A_90 = arith.constant 0 : i32
      %eq3A_91 = arith.constant 0 : i32
      %eq3A_92 = arith.cmpi eq, %scan3A_90, %eq3A_91 : i32
      %eq3A_93 = arith.constant 0 : i32
      %eq3A_94 = arith.cmpi eq, %scan3A_90, %eq3A_93 : i32
      %add3A_95 = arith.constant 0 : i32
      %add3A_96 = arith.addi %add3A_95, %mul3A_6 : i32
      %select_n3A_97 = arith.constant true
      %select_n3A_98 = arith.constant 0 : i32
      %select_n3A_99 = arith.constant -1 : i32
      %select_n3A_100 = arith.select %select_n3A_97, %select_n3A_99, %select_n3A_98 : i32
      %eq3A_101 = arith.constant -1 : i32
      %eq3A_102 = arith.cmpi eq, %select_n3A_100, %eq3A_101 : i32
      %select_n3A_103 = arith.constant 0 : i32
      %select_n3A_104 = arith.select %eq3A_102, %select_n3A_103, %select_n3A_100 : i32
      %add3A_105 = arith.constant 0 : i32
      %add3A_106 = arith.addi %add3A_105, %mul3A_6 : i32
      %select_n3A_107 = arith.constant true
      %select_n3A_108 = arith.constant 0 : i32
      %select_n3A_109 = arith.constant 1 : i32
      %select_n3A_110 = arith.select %select_n3A_107, %select_n3A_109, %select_n3A_108 : i32
      %eq3A_111 = arith.constant 1 : i32
      %eq3A_112 = arith.cmpi eq, %select_n3A_110, %eq3A_111 : i32
      %select_n3A_113 = arith.constant 0 : i32
      %select_n3A_114 = arith.select %eq3A_112, %select_n3A_113, %select_n3A_110 : i32
      %add3A_115 = arith.constant 0 : i32
      %add3A_116 = arith.addi %add3A_115, %mul3A_6 : i32
      %select_n3A_117 = arith.constant true
      %select_n3A_118 = arith.constant 0 : i32
      %select_n3A_119 = arith.constant 1 : i32
      %select_n3A_120 = arith.select %select_n3A_117, %select_n3A_119, %select_n3A_118 : i32
      %eq3A_121 = arith.constant 1 : i32
      %eq3A_122 = arith.cmpi eq, %select_n3A_120, %eq3A_121 : i32
      %select_n3A_123 = arith.constant 0 : i32
      %select_n3A_124 = arith.select %eq3A_122, %select_n3A_123, %select_n3A_120 : i32
      %add3A_125 = arith.constant 0 : i32
      %add3A_126 = arith.addi %add3A_125, %mul3A_6 : i32
      %ne3A = arith.cmpi ne, %add3A_96, %add3A_116 : i32
      %or3A = arith.constant false
      %or3A_127 = arith.ori %or3A, %ne3A : i1
      %or3A_128 = arith.constant false
      %or3A_129 = arith.ori %or3A_127, %or3A_128 : i1
      %ge3A = arith.constant 0 : i32
      %ge3A_130 = arith.cmpi sge, %scan3A_90, %ge3A : i32
      %not3A = arith.constant true
      %not3A_131 = arith.xori %ge3A_130, %not3A : i1
      %and3A = arith.andi %or3A_129, %not3A_131 : i1
      %convert_element_type3A = arith.extui %and3A : i1 to i32
      %cond3A = arith.constant 0 : i32
      %cond3A_132 = arith.cmpi ne, %convert_element_type3A, %cond3A : i32
      scf.if %cond3A_132 {
        "tpu.trace_start"() <{level = 10 : i32, message = "ep_copy_in"}> : () -> ()
        %rem3A_284 = arith.constant 2 : i32
        %rem3A_285 = arith.remui %select_n3A_62, %rem3A_284 : i32
        %mul3A_286 = arith.constant 128 : i32
        %mul3A_287 = arith.muli %mul3A_286, %add3A_116 : i32
        %dma_start3A_288 = arith.constant 0 : i32
        %dma_start3A_289 = arith.constant 0 : i32
        %dma_start3A_290 = tpu.memref_slice %run_scoped3A[%rem3A_285, %dma_start3A_288, %dma_start3A_289] : memref<2x128x128xf32, #tpu.memory_space<vmem>> -> memref<1x128x128xf32, #tpu.memory_space<vmem>>
        %dma_start3A_291 = tpu.memref_squeeze %dma_start3A_290 : memref<1x128x128xf32, #tpu.memory_space<vmem>> -> memref<128x128xf32, #tpu.memory_space<vmem>>
        %dma_start3A_292 = arith.constant 0 : i32
        %dma_start3A_293 = tpu.memref_slice %arg2[%mul3A_287, %dma_start3A_292] : memref<4096x128xf32, #tpu.memory_space<hbm>> -> memref<128x128xf32, #tpu.memory_space<hbm>>
        %dma_start3A_294 = tpu.memref_slice %run_scoped3A_7[%rem3A_285] : memref<2x!tpu.dma_semaphore, #tpu.memory_space<semaphore_mem>> -> memref<1x!tpu.dma_semaphore, #tpu.memory_space<semaphore_mem>>
        %dma_start3A_295 = tpu.memref_squeeze %dma_start3A_294 : memref<1x!tpu.dma_semaphore, #tpu.memory_space<semaphore_mem>> -> memref<!tpu.dma_semaphore, #tpu.memory_space<semaphore_mem>>
        %dma_start3A_296 = arith.constant 0 : i32
        %dma_start3A_297 = arith.constant 0 : i32
        %dma_start3A_298 = tpu.memref_slice %run_scoped3A[%rem3A_285, %dma_start3A_296, %dma_start3A_297] : memref<2x128x128xf32, #tpu.memory_space<vmem>> -> memref<1x128x128xf32, #tpu.memory_space<vmem>>
        %dma_start3A_299 = tpu.memref_squeeze %dma_start3A_298 : memref<1x128x128xf32, #tpu.memory_space<vmem>> -> memref<128x128xf32, #tpu.memory_space<vmem>>
        %dma_start3A_300 = arith.constant 0 : i32
        %dma_start3A_301 = tpu.memref_slice %arg2[%mul3A_287, %dma_start3A_300] : memref<4096x128xf32, #tpu.memory_space<hbm>> -> memref<128x128xf32, #tpu.memory_space<hbm>>
        tpu.enqueue_dma source(%dma_start3A_301 : memref<128x128xf32, #tpu.memory_space<hbm>>) target(%dma_start3A_299 : memref<128x128xf32, #tpu.memory_space<vmem>>) target_semaphore(%dma_start3A_295 : memref<!tpu.dma_semaphore, #tpu.memory_space<semaphore_mem>>)
        "tpu.trace_stop"() : () -> ()
      } else {
      }
      %and3A_133 = arith.constant true
      %and3A_134 = arith.andi %and3A, %and3A_133 : i1
      %add3A_135 = arith.constant 1 : i32
      %add3A_136 = arith.addi %select_n3A_62, %add3A_135 : i32
      %select_n3A_137 = arith.select %and3A_134, %add3A_136, %select_n3A_62 : i32
      %ne3A_138 = arith.cmpi ne, %add3A_96, %add3A_116 : i32
      %or3A_139 = arith.constant false
      %or3A_140 = arith.ori %or3A_139, %ne3A_138 : i1
      %ge3A_141 = arith.constant 0 : i32
      %ge3A_142 = arith.cmpi sge, %scan3A_90, %ge3A_141 : i32
      %not3A_143 = arith.constant true
      %not3A_144 = arith.xori %ge3A_142, %not3A_143 : i1
      %and3A_145 = arith.andi %or3A_140, %not3A_144 : i1
      %convert_element_type3A_146 = arith.extui %and3A_145 : i1 to i32
      %cond3A_147 = arith.constant 0 : i32
      %cond3A_148 = arith.cmpi ne, %convert_element_type3A_146, %cond3A_147 : i32
      scf.if %cond3A_148 {
        "tpu.trace_start"() <{level = 10 : i32, message = "ep_copy_in"}> : () -> ()
        %rem3A_284 = arith.constant 2 : i32
        %rem3A_285 = arith.remui %select_n3A_87, %rem3A_284 : i32
        %mul3A_286 = arith.constant 128 : i32
        %mul3A_287 = arith.muli %mul3A_286, %add3A_116 : i32
        %dma_start3A_288 = arith.constant 0 : i32
        %dma_start3A_289 = arith.constant 0 : i32
        %dma_start3A_290 = tpu.memref_slice %run_scoped3A_8[%rem3A_285, %dma_start3A_288, %dma_start3A_289] : memref<2x1x128xi32, #tpu.memory_space<vmem>> -> memref<1x1x128xi32, #tpu.memory_space<vmem>>
        %dma_start3A_291 = tpu.memref_squeeze %dma_start3A_290 : memref<1x1x128xi32, #tpu.memory_space<vmem>> -> memref<1x128xi32, #tpu.memory_space<vmem>>
        %dma_start3A_292 = arith.constant 0 : i32
        %dma_start3A_293 = tpu.memref_slice %arg3[%dma_start3A_292, %mul3A_287] : memref<1x4096xi32, #tpu.memory_space<hbm>> -> memref<1x128xi32, #tpu.memory_space<hbm>>
        %dma_start3A_294 = tpu.memref_slice %run_scoped3A_9[%rem3A_285] : memref<2x!tpu.dma_semaphore, #tpu.memory_space<semaphore_mem>> -> memref<1x!tpu.dma_semaphore, #tpu.memory_space<semaphore_mem>>
        %dma_start3A_295 = tpu.memref_squeeze %dma_start3A_294 : memref<1x!tpu.dma_semaphore, #tpu.memory_space<semaphore_mem>> -> memref<!tpu.dma_semaphore, #tpu.memory_space<semaphore_mem>>
        %dma_start3A_296 = arith.constant 0 : i32
        %dma_start3A_297 = arith.constant 0 : i32
        %dma_start3A_298 = tpu.memref_slice %run_scoped3A_8[%rem3A_285, %dma_start3A_296, %dma_start3A_297] : memref<2x1x128xi32, #tpu.memory_space<vmem>> -> memref<1x1x128xi32, #tpu.memory_space<vmem>>
        %dma_start3A_299 = tpu.memref_squeeze %dma_start3A_298 : memref<1x1x128xi32, #tpu.memory_space<vmem>> -> memref<1x128xi32, #tpu.memory_space<vmem>>
        %dma_start3A_300 = arith.constant 0 : i32
        %dma_start3A_301 = tpu.memref_slice %arg3[%dma_start3A_300, %mul3A_287] : memref<1x4096xi32, #tpu.memory_space<hbm>> -> memref<1x128xi32, #tpu.memory_space<hbm>>
        tpu.enqueue_dma source(%dma_start3A_301 : memref<1x128xi32, #tpu.memory_space<hbm>>) target(%dma_start3A_299 : memref<1x128xi32, #tpu.memory_space<vmem>>) target_semaphore(%dma_start3A_295 : memref<!tpu.dma_semaphore, #tpu.memory_space<semaphore_mem>>)
        "tpu.trace_stop"() : () -> ()
      } else {
      }
      %and3A_149 = arith.constant true
      %and3A_150 = arith.andi %and3A_145, %and3A_149 : i1
      %add3A_151 = arith.constant 1 : i32
      %add3A_152 = arith.addi %select_n3A_87, %add3A_151 : i32
      %select_n3A_153 = arith.select %and3A_150, %add3A_152, %select_n3A_87 : i32
      %ne3A_154 = arith.cmpi ne, %add3A_96, %add3A_106 : i32
      %or3A_155 = arith.constant false
      %or3A_156 = arith.ori %or3A_155, %ne3A_154 : i1
      %or3A_157 = arith.constant false
      %or3A_158 = arith.ori %or3A_156, %or3A_157 : i1
      %or3A_159 = arith.ori %or3A_158, %eq3A_92 : i1
      %convert_element_type3A_160 = arith.extui %or3A_159 : i1 to i32
      %cond3A_161 = arith.constant 0 : i32
      %cond3A_162 = arith.cmpi ne, %convert_element_type3A_160, %cond3A_161 : i32
      scf.if %cond3A_162 {
        "tpu.trace_start"() <{level = 10 : i32, message = "ep_wait_in"}> : () -> ()
        %mul3A_284 = arith.constant 128 : i32
        %mul3A_285 = arith.muli %mul3A_284, %add3A_96 : i32
        %rem3A_286 = arith.constant 2 : i32
        %rem3A_287 = arith.remui %scan3A, %rem3A_286 : i32
        %dma_wait3A = arith.constant 0 : i32
        %dma_wait3A_288 = arith.constant 0 : i32
        %dma_wait3A_289 = tpu.memref_slice %run_scoped3A[%rem3A_287, %dma_wait3A, %dma_wait3A_288] : memref<2x128x128xf32, #tpu.memory_space<vmem>> -> memref<1x128x128xf32, #tpu.memory_space<vmem>>
        %dma_wait3A_290 = tpu.memref_squeeze %dma_wait3A_289 : memref<1x128x128xf32, #tpu.memory_space<vmem>> -> memref<128x128xf32, #tpu.memory_space<vmem>>
        %dma_wait3A_291 = arith.constant 0 : i32
        %dma_wait3A_292 = tpu.memref_slice %arg2[%mul3A_285, %dma_wait3A_291] : memref<4096x128xf32, #tpu.memory_space<hbm>> -> memref<128x128xf32, #tpu.memory_space<hbm>>
        %dma_wait3A_293 = tpu.memref_slice %run_scoped3A_7[%rem3A_287] : memref<2x!tpu.dma_semaphore, #tpu.memory_space<semaphore_mem>> -> memref<1x!tpu.dma_semaphore, #tpu.memory_space<semaphore_mem>>
        %dma_wait3A_294 = tpu.memref_squeeze %dma_wait3A_293 : memref<1x!tpu.dma_semaphore, #tpu.memory_space<semaphore_mem>> -> memref<!tpu.dma_semaphore, #tpu.memory_space<semaphore_mem>>
        %dma_wait3A_295 = arith.constant 0 : i32
        %dma_wait3A_296 = arith.constant 0 : i32
        %dma_wait3A_297 = tpu.memref_slice %run_scoped3A[%rem3A_287, %dma_wait3A_295, %dma_wait3A_296] : memref<2x128x128xf32, #tpu.memory_space<vmem>> -> memref<1x128x128xf32, #tpu.memory_space<vmem>>
        %dma_wait3A_298 = tpu.memref_squeeze %dma_wait3A_297 : memref<1x128x128xf32, #tpu.memory_space<vmem>> -> memref<128x128xf32, #tpu.memory_space<vmem>>
        %dma_wait3A_299 = arith.constant 0 : i32
        %dma_wait3A_300 = tpu.memref_slice %arg2[%mul3A_285, %dma_wait3A_299] : memref<4096x128xf32, #tpu.memory_space<hbm>> -> memref<128x128xf32, #tpu.memory_space<hbm>>
        tpu.wait_dma2 semaphore(%dma_wait3A_294 : memref<!tpu.dma_semaphore, #tpu.memory_space<semaphore_mem>>) src(%dma_wait3A_300 : memref<128x128xf32, #tpu.memory_space<hbm>>) dst(%dma_wait3A_298 : memref<128x128xf32, #tpu.memory_space<vmem>>)
        "tpu.trace_stop"() : () -> ()
      } else {
      }
      %ne3A_163 = arith.cmpi ne, %add3A_96, %add3A_106 : i32
      %or3A_164 = arith.constant false
      %or3A_165 = arith.ori %or3A_164, %ne3A_163 : i1
      %or3A_166 = arith.ori %or3A_165, %eq3A_92 : i1
      %convert_element_type3A_167 = arith.extui %or3A_166 : i1 to i32
      %cond3A_168 = arith.constant 0 : i32
      %cond3A_169 = arith.cmpi ne, %convert_element_type3A_167, %cond3A_168 : i32
      scf.if %cond3A_169 {
        "tpu.trace_start"() <{level = 10 : i32, message = "ep_wait_in"}> : () -> ()
        %mul3A_284 = arith.constant 128 : i32
        %mul3A_285 = arith.muli %mul3A_284, %add3A_96 : i32
        %rem3A_286 = arith.constant 2 : i32
        %rem3A_287 = arith.remui %scan3A_88, %rem3A_286 : i32
        %dma_wait3A = arith.constant 0 : i32
        %dma_wait3A_288 = arith.constant 0 : i32
        %dma_wait3A_289 = tpu.memref_slice %run_scoped3A_8[%rem3A_287, %dma_wait3A, %dma_wait3A_288] : memref<2x1x128xi32, #tpu.memory_space<vmem>> -> memref<1x1x128xi32, #tpu.memory_space<vmem>>
        %dma_wait3A_290 = tpu.memref_squeeze %dma_wait3A_289 : memref<1x1x128xi32, #tpu.memory_space<vmem>> -> memref<1x128xi32, #tpu.memory_space<vmem>>
        %dma_wait3A_291 = arith.constant 0 : i32
        %dma_wait3A_292 = tpu.memref_slice %arg3[%dma_wait3A_291, %mul3A_285] : memref<1x4096xi32, #tpu.memory_space<hbm>> -> memref<1x128xi32, #tpu.memory_space<hbm>>
        %dma_wait3A_293 = tpu.memref_slice %run_scoped3A_9[%rem3A_287] : memref<2x!tpu.dma_semaphore, #tpu.memory_space<semaphore_mem>> -> memref<1x!tpu.dma_semaphore, #tpu.memory_space<semaphore_mem>>
        %dma_wait3A_294 = tpu.memref_squeeze %dma_wait3A_293 : memref<1x!tpu.dma_semaphore, #tpu.memory_space<semaphore_mem>> -> memref<!tpu.dma_semaphore, #tpu.memory_space<semaphore_mem>>
        %dma_wait3A_295 = arith.constant 0 : i32
        %dma_wait3A_296 = arith.constant 0 : i32
        %dma_wait3A_297 = tpu.memref_slice %run_scoped3A_8[%rem3A_287, %dma_wait3A_295, %dma_wait3A_296] : memref<2x1x128xi32, #tpu.memory_space<vmem>> -> memref<1x1x128xi32, #tpu.memory_space<vmem>>
        %dma_wait3A_298 = tpu.memref_squeeze %dma_wait3A_297 : memref<1x1x128xi32, #tpu.memory_space<vmem>> -> memref<1x128xi32, #tpu.memory_space<vmem>>
        %dma_wait3A_299 = arith.constant 0 : i32
        %dma_wait3A_300 = tpu.memref_slice %arg3[%dma_wait3A_299, %mul3A_285] : memref<1x4096xi32, #tpu.memory_space<hbm>> -> memref<1x128xi32, #tpu.memory_space<hbm>>
        tpu.wait_dma2 semaphore(%dma_wait3A_294 : memref<!tpu.dma_semaphore, #tpu.memory_space<semaphore_mem>>) src(%dma_wait3A_300 : memref<1x128xi32, #tpu.memory_space<hbm>>) dst(%dma_wait3A_298 : memref<1x128xi32, #tpu.memory_space<vmem>>)
        "tpu.trace_stop"() : () -> ()
      } else {
      }
      %rem3A_170 = arith.constant 2 : i32
      %rem3A_171 = arith.remui %scan3A, %rem3A_170 : i32
      %rem3A_172 = arith.constant 2 : i32
      %rem3A_173 = arith.remui %scan3A_88, %rem3A_172 : i32
      %run_scoped3A_174 = arith.constant 0 : i32
      "tpu.trace_start"() <{level = 10 : i32, message = "ep_run_kernel"}> : () -> ()
      "tpu.region"() ({
        %run_scoped3A_284 = tpu.sem_alloc : memref<!tpu.dma_semaphore, #tpu.memory_space<semaphore_mem>>
        %dma_start3A_285 = arith.constant 0 : i32
        %dma_start3A_286 = arith.constant 0 : i32
        %dma_start3A_287 = tpu.memref_slice %run_scoped3A[%rem3A_171, %dma_start3A_285, %dma_start3A_286] : memref<2x128x128xf32, #tpu.memory_space<vmem>> -> memref<1x128x128xf32, #tpu.memory_space<vmem>>
        %dma_start3A_288 = tpu.memref_squeeze %dma_start3A_287 : memref<1x128x128xf32, #tpu.memory_space<vmem>> -> memref<128x128xf32, #tpu.memory_space<vmem>>
        %dma_start3A_289 = arith.constant 0 : i32
        %dma_start3A_290 = arith.constant 0 : i32
        %dma_start3A_291 = tpu.memref_slice %run_scoped3A_8[%rem3A_173, %dma_start3A_289, %dma_start3A_290] : memref<2x1x128xi32, #tpu.memory_space<vmem>> -> memref<1x1x128xi32, #tpu.memory_space<vmem>>
        %dma_start3A_292 = tpu.memref_squeeze %dma_start3A_291 : memref<1x1x128xi32, #tpu.memory_space<vmem>> -> memref<1x128xi32, #tpu.memory_space<vmem>>
        %dma_start3A_293 = arith.constant 0 : i32
        %dma_start3A_294 = tpu.memref_slice %dma_start3A_292[%run_scoped3A_174, %dma_start3A_293] : memref<1x128xi32, #tpu.memory_space<vmem>> -> memref<1x128xi32, #tpu.memory_space<vmem>>
        %dma_start3A_295 = tpu.memref_squeeze %dma_start3A_294 : memref<1x128xi32, #tpu.memory_space<vmem>> -> memref<128xi32, #tpu.memory_space<vmem>>
        %dma_start3A_296 = arith.constant 0 : i32
        %dma_start3A_297 = arith.constant 0 : i32
        %dma_start3A_298 = tpu.memref_slice %arg4[%dma_start3A_296, %dma_start3A_297] : memref<4096x128xf32, #tpu.memory_space<hbm>> -> memref<4096x128xf32, #tpu.memory_space<hbm>>
        tpu.enqueue_indirect_dma source(%dma_start3A_288 : memref<128x128xf32, #tpu.memory_space<vmem>>) target(%dma_start3A_298 : memref<4096x128xf32, #tpu.memory_space<hbm>>) offsets(%dma_start3A_295 : memref<128xi32, #tpu.memory_space<vmem>>) semaphore(%run_scoped3A_284 : memref<!tpu.dma_semaphore, #tpu.memory_space<semaphore_mem>>)
        %dma_wait3A = arith.constant 0 : i32
        %dma_wait3A_299 = arith.constant 0 : i32
        %dma_wait3A_300 = tpu.memref_slice %run_scoped3A[%rem3A_171, %dma_wait3A, %dma_wait3A_299] : memref<2x128x128xf32, #tpu.memory_space<vmem>> -> memref<1x128x128xf32, #tpu.memory_space<vmem>>
        %dma_wait3A_301 = tpu.memref_squeeze %dma_wait3A_300 : memref<1x128x128xf32, #tpu.memory_space<vmem>> -> memref<128x128xf32, #tpu.memory_space<vmem>>
        %dma_wait3A_302 = arith.constant 0 : i32
        %dma_wait3A_303 = arith.constant 0 : i32
        %dma_wait3A_304 = tpu.memref_slice %run_scoped3A_8[%rem3A_173, %dma_wait3A_302, %dma_wait3A_303] : memref<2x1x128xi32, #tpu.memory_space<vmem>> -> memref<1x1x128xi32, #tpu.memory_space<vmem>>
        %dma_wait3A_305 = tpu.memref_squeeze %dma_wait3A_304 : memref<1x1x128xi32, #tpu.memory_space<vmem>> -> memref<1x128xi32, #tpu.memory_space<vmem>>
        %dma_wait3A_306 = arith.constant 0 : i32
        %dma_wait3A_307 = tpu.memref_slice %dma_wait3A_305[%run_scoped3A_174, %dma_wait3A_306] : memref<1x128xi32, #tpu.memory_space<vmem>> -> memref<1x128xi32, #tpu.memory_space<vmem>>
        %dma_wait3A_308 = tpu.memref_squeeze %dma_wait3A_307 : memref<1x128xi32, #tpu.memory_space<vmem>> -> memref<128xi32, #tpu.memory_space<vmem>>
        %dma_wait3A_309 = arith.constant 0 : i32
        %dma_wait3A_310 = arith.constant 0 : i32
        %dma_wait3A_311 = tpu.memref_slice %arg4[%dma_wait3A_309, %dma_wait3A_310] : memref<4096x128xf32, #tpu.memory_space<hbm>> -> memref<4096x128xf32, #tpu.memory_space<hbm>>
        tpu.wait_indirect_dma semaphore(%run_scoped3A_284 : memref<!tpu.dma_semaphore, #tpu.memory_space<semaphore_mem>>) src(%dma_wait3A_301 : memref<128x128xf32, #tpu.memory_space<vmem>>) dst(%dma_wait3A_311 : memref<4096x128xf32, #tpu.memory_space<hbm>>)
        tpu.yield
      }) : () -> ()
      "tpu.trace_stop"() : () -> ()
      %ne3A_175 = arith.cmpi ne, %add3A_96, %add3A_116 : i32
      %or3A_176 = arith.constant false
      %or3A_177 = arith.ori %or3A_176, %ne3A_175 : i1
      %or3A_178 = arith.constant false
      %or3A_179 = arith.ori %or3A_177, %or3A_178 : i1
      %or3A_180 = arith.ori %or3A_179, %eq3A_94 : i1
      %convert_element_type3A_181 = arith.extui %or3A_180 : i1 to i32
      %cond3A_182 = arith.constant 0 : i32
      %cond3A_183 = arith.cmpi ne, %convert_element_type3A_181, %cond3A_182 : i32
      scf.if %cond3A_183 {
      } else {
      }
      %and3A_184 = arith.constant false
      %and3A_185 = arith.andi %or3A_180, %and3A_184 : i1
      %ne3A_186 = arith.cmpi ne, %add3A_96, %add3A_116 : i32
      %or3A_187 = arith.constant false
      %or3A_188 = arith.ori %or3A_187, %ne3A_186 : i1
      %or3A_189 = arith.ori %or3A_188, %eq3A_94 : i1
      %convert_element_type3A_190 = arith.extui %or3A_189 : i1 to i32
      %cond3A_191 = arith.constant 0 : i32
      %cond3A_192 = arith.cmpi ne, %convert_element_type3A_190, %cond3A_191 : i32
      scf.if %cond3A_192 {
      } else {
      }
      %and3A_193 = arith.constant false
      %and3A_194 = arith.andi %or3A_189, %and3A_193 : i1
      %ne3A_195 = arith.cmpi ne, %add3A_96, %add3A_106 : i32
      %or3A_196 = arith.constant false
      %or3A_197 = arith.ori %or3A_196, %ne3A_195 : i1
      %or3A_198 = arith.constant false
      %or3A_199 = arith.ori %or3A_197, %or3A_198 : i1
      %not3A_200 = arith.constant true
      %not3A_201 = arith.xori %eq3A_92, %not3A_200 : i1
      %and3A_202 = arith.andi %or3A_199, %not3A_201 : i1
      %convert_element_type3A_203 = arith.extui %and3A_202 : i1 to i32
      %cond3A_204 = arith.constant 0 : i32
      %cond3A_205 = arith.cmpi ne, %convert_element_type3A_203, %cond3A_204 : i32
      scf.if %cond3A_205 {
      } else {
      }
      %and3A_206 = arith.constant false
      %and3A_207 = arith.andi %and3A_202, %and3A_206 : i1
      %ne3A_208 = arith.cmpi ne, %add3A_96, %add3A_106 : i32
      %or3A_209 = arith.constant false
      %or3A_210 = arith.ori %or3A_209, %ne3A_208 : i1
      %not3A_211 = arith.constant true
      %not3A_212 = arith.xori %eq3A_92, %not3A_211 : i1
      %and3A_213 = arith.andi %or3A_210, %not3A_212 : i1
      %convert_element_type3A_214 = arith.extui %and3A_213 : i1 to i32
      %cond3A_215 = arith.constant 0 : i32
      %cond3A_216 = arith.cmpi ne, %convert_element_type3A_214, %cond3A_215 : i32
      scf.if %cond3A_216 {
      } else {
      }
      %and3A_217 = arith.constant false
      %and3A_218 = arith.andi %and3A_213, %and3A_217 : i1
      %ne3A_219 = arith.cmpi ne, %add3A_96, %add3A_116 : i32
      %or3A_220 = arith.constant false
      %or3A_221 = arith.ori %or3A_220, %ne3A_219 : i1
      %or3A_222 = arith.constant false
      %or3A_223 = arith.ori %or3A_221, %or3A_222 : i1
      %or3A_224 = arith.ori %or3A_223, %eq3A_94 : i1
      %add3A_225 = arith.constant 1 : i32
      %add3A_226 = arith.addi %scan3A, %add3A_225 : i32
      %select_n3A_227 = arith.select %or3A_224, %add3A_226, %scan3A : i32
      %ne3A_228 = arith.cmpi ne, %add3A_96, %add3A_116 : i32
      %or3A_229 = arith.constant false
      %or3A_230 = arith.ori %or3A_229, %ne3A_228 : i1
      %or3A_231 = arith.ori %or3A_230, %eq3A_94 : i1
      %add3A_232 = arith.constant 1 : i32
      %add3A_233 = arith.addi %scan3A_88, %add3A_232 : i32
      %select_n3A_234 = arith.select %or3A_231, %add3A_233, %scan3A_88 : i32
      %select_n3A_235 = arith.constant true
      %select_n3A_236 = arith.constant 0 : i32
      %select_n3A_237 = arith.constant 1 : i32
      %select_n3A_238 = arith.select %select_n3A_235, %select_n3A_237, %select_n3A_236 : i32
      %eq3A_239 = arith.constant 1 : i32
      %eq3A_240 = arith.cmpi eq, %select_n3A_238, %eq3A_239 : i32
      %select_n3A_241 = arith.constant 0 : i32
      %select_n3A_242 = arith.select %eq3A_240, %select_n3A_241, %select_n3A_238 : i32
      %scan3A_243 = arith.constant 0 : i32
      %scan3A_244 = arith.constant 1 : i32
      %sub3A = arith.constant 1 : i32
      %sub3A_245 = arith.subi %scan3A_243, %sub3A : i32
      %select_n3A_246 = arith.constant true
      %select_n3A_247 = arith.select %select_n3A_246, %sub3A_245, %scan3A_243 : i32
      %eq3A_248 = arith.constant -1 : i32
      %eq3A_249 = arith.cmpi eq, %select_n3A_247, %eq3A_248 : i32
      %select_n3A_250 = arith.constant 0 : i32
      %select_n3A_251 = arith.select %eq3A_249, %select_n3A_250, %select_n3A_247 : i32
      %add3A_252 = arith.constant 0 : i32
      %add3A_253 = arith.addi %add3A_252, %mul3A_6 : i32
      %select_n3A_254 = arith.constant true
      %select_n3A_255 = arith.constant 0 : i32
      %select_n3A_256 = arith.constant -1 : i32
      %select_n3A_257 = arith.select %select_n3A_254, %select_n3A_256, %select_n3A_255 : i32
      %eq3A_258 = arith.constant -1 : i32
      %eq3A_259 = arith.cmpi eq, %select_n3A_257, %eq3A_258 : i32
      %select_n3A_260 = arith.constant 0 : i32
      %select_n3A_261 = arith.select %eq3A_259, %select_n3A_260, %select_n3A_257 : i32
      %add3A_262 = arith.constant 0 : i32
      %add3A_263 = arith.addi %add3A_262, %mul3A_6 : i32
      %select_n3A_264 = arith.constant true
      %select_n3A_265 = arith.constant 0 : i32
      %select_n3A_266 = arith.constant 1 : i32
      %select_n3A_267 = arith.select %select_n3A_264, %select_n3A_266, %select_n3A_265 : i32
      %eq3A_268 = arith.constant 1 : i32
      %eq3A_269 = arith.cmpi eq, %select_n3A_267, %eq3A_268 : i32
      %select_n3A_270 = arith.constant 0 : i32
      %select_n3A_271 = arith.select %eq3A_269, %select_n3A_270, %select_n3A_267 : i32
      %add3A_272 = arith.constant 0 : i32
      %add3A_273 = arith.addi %add3A_272, %mul3A_6 : i32
      %select_n3A_274 = arith.constant true
      %select_n3A_275 = arith.constant 0 : i32
      %select_n3A_276 = arith.constant 1 : i32
      %select_n3A_277 = arith.select %select_n3A_274, %select_n3A_276, %select_n3A_275 : i32
      %eq3A_278 = arith.constant 1 : i32
      %eq3A_279 = arith.cmpi eq, %select_n3A_277, %eq3A_278 : i32
      %select_n3A_280 = arith.constant 0 : i32
      %select_n3A_281 = arith.select %eq3A_279, %select_n3A_280, %select_n3A_277 : i32
      %add3A_282 = arith.constant 0 : i32
      %add3A_283 = arith.addi %add3A_282, %mul3A_6 : i32
      tpu.yield
    }) : () -> ()
    return
  }
}

module attributes {stable_mosaic.version = 14 : i64} {
  func.func @_rank_kernel(%arg0: i32, %arg1: memref<1x4096xf32, #tpu.memory_space<vmem>>, %arg2: memref<512x1xf32, #tpu.memory_space<vmem>>, %arg3: memref<512x128xf32, #tpu.memory_space<vmem>>, %arg4: memref<512x4096xi32, #tpu.memory_space<vmem>>, %arg5: memref<512x1xi32, #tpu.memory_space<vmem>>, %arg6: memref<512x128xf32, #tpu.memory_space<vmem>>, %arg7: memref<512x4096xf8E4M3FN, #tpu.memory_space<vmem>>) attributes {dimension_semantics = [#tpu.dimension_semantics<arbitrary>], iteration_bounds = array<i64: 8>, scalar_prefetch = 0 : i64, scratch_operands = 0 : i64, tpu.core_type = #tpu.core_type<tc>, window_params = [{pipeline_mode = #tpu.pipeline_mode<synchronous>, transform_indices = @transform_0, window_bounds = array<i64: 1, 4096>}, {transform_indices = @transform_1, window_bounds = array<i64: 512, 1>}, {transform_indices = @transform_2, window_bounds = array<i64: 512, 128>}, {transform_indices = @transform_3, window_bounds = array<i64: 512, 4096>}, {transform_indices = @transform_4, window_bounds = array<i64: 512, 1>}, {transform_indices = @transform_5, window_bounds = array<i64: 512, 128>}, {transform_indices = @transform_6, window_bounds = array<i64: 512, 4096>}]} {
    %get3A = arith.constant 0 : index
    %get3A_0 = arith.constant 0 : index
    %get3A_1 = vector.load %arg1[%get3A, %get3A_0] : memref<1x4096xf32, #tpu.memory_space<vmem>>, vector<1x4096xf32>
    %get3A_2 = arith.constant 0 : index
    %get3A_3 = arith.constant 0 : index
    %get3A_4 = vector.load %arg2[%get3A_2, %get3A_3] : memref<512x1xf32, #tpu.memory_space<vmem>>, vector<512x1xf32>
    %gt3A = vector.broadcast %get3A_1 : vector<1x4096xf32> to vector<512x4096xf32>
    %gt3A_5 = vector.broadcast %get3A_4 : vector<512x1xf32> to vector<512x4096xf32>
    %gt3A_6 = arith.cmpf ogt, %gt3A, %gt3A_5 : vector<512x4096xf32>
    %eq3A = vector.broadcast %get3A_1 : vector<1x4096xf32> to vector<512x4096xf32>
    %eq3A_7 = vector.broadcast %get3A_4 : vector<512x1xf32> to vector<512x4096xf32>
    %eq3A_8 = arith.cmpf oeq, %eq3A, %eq3A_7 : vector<512x4096xf32>
    %iota3A = tpu.iota {dimensions = array<i32: 1>} : vector<512x4096xi32>
    %iota3A_9 = tpu.iota {dimensions = array<i32: 0>} : vector<512x4096xi32>
    %mul3A = arith.constant 512 : i32
    %mul3A_10 = arith.muli %arg0, %mul3A : i32
    %add3A = vector.broadcast %mul3A_10 : i32 to vector<512x4096xi32>
    %add3A_11 = arith.addi %iota3A_9, %add3A : vector<512x4096xi32>
    %convert_element_type3A = arith.extui %gt3A_6 : vector<512x4096xi1> to vector<512x4096xi32>
    %convert_element_type3A_12 = arith.sitofp %convert_element_type3A : vector<512x4096xi32> to vector<512x4096xf32>
    %lt3A = arith.cmpi slt, %iota3A, %add3A_11 : vector<512x4096xi32>
    %and3A = arith.andi %eq3A_8, %lt3A : vector<512x4096xi1>
    %convert_element_type3A_13 = arith.extui %and3A : vector<512x4096xi1> to vector<512x4096xi32>
    %convert_element_type3A_14 = arith.sitofp %convert_element_type3A_13 : vector<512x4096xi32> to vector<512x4096xf32>
    %add3A_15 = arith.addf %convert_element_type3A_12, %convert_element_type3A_14 : vector<512x4096xf32>
    %reduce_sum3A = arith.constant dense<0.000000e+00> : vector<512xf32>
    %reduce_sum3A_16 = vector.multi_reduction <add>, %add3A_15, %reduce_sum3A [1] : vector<512x4096xf32> to vector<512xf32>
    %broadcast_in_dim3A = vector.shape_cast %reduce_sum3A_16 : vector<512xf32> to vector<512x1xf32>
    %convert_element_type3A_17 = arith.fptosi %broadcast_in_dim3A : vector<512x1xf32> to vector<512x1xi32>
    %swap3A = arith.constant 0 : index
    %swap3A_18 = arith.constant 0 : index
    %swap3A_19 = vector.load %arg5[%swap3A, %swap3A_18] : memref<512x1xi32, #tpu.memory_space<vmem>>, vector<512x1xi32>
    tpu.vector_store %arg5[%swap3A, %swap3A_18], %convert_element_type3A_17 {strides = array<i32>} : memref<512x1xi32, #tpu.memory_space<vmem>>, vector<512x1xi32>,
    %get3A_20 = arith.constant 0 : index
    %get3A_21 = arith.constant 0 : index
    %get3A_22 = vector.load %arg3[%get3A_20, %get3A_21] : memref<512x128xf32, #tpu.memory_space<vmem>>, vector<512x128xf32>
    %mul3A_23 = vector.broadcast %get3A_4 : vector<512x1xf32> to vector<512x128xf32>
    %mul3A_24 = arith.mulf %get3A_22, %mul3A_23 : vector<512x128xf32>
    %swap3A_25 = arith.constant 0 : index
    %swap3A_26 = arith.constant 0 : index
    %swap3A_27 = vector.load %arg6[%swap3A_25, %swap3A_26] : memref<512x128xf32, #tpu.memory_space<vmem>>, vector<512x128xf32>
    tpu.vector_store %arg6[%swap3A_25, %swap3A_26], %mul3A_24 {strides = array<i32>} : memref<512x128xf32, #tpu.memory_space<vmem>>, vector<512x128xf32>,
    %get3A_28 = arith.constant 0 : index
    %get3A_29 = arith.constant 0 : index
    %get3A_30 = vector.load %arg4[%get3A_28, %get3A_29] : memref<512x4096xi32, #tpu.memory_space<vmem>>, vector<512x4096xi32>
    %ne3A = arith.constant 0 : i32
    %ne3A_31 = vector.broadcast %ne3A : i32 to vector<512x4096xi32>
    %ne3A_32 = arith.cmpi ne, %get3A_30, %ne3A_31 : vector<512x4096xi32>
    %convert_element_type3A_33 = arith.extui %ne3A_32 : vector<512x4096xi1> to vector<512x4096xi32>
    %convert_element_type3A_34 = arith.sitofp %convert_element_type3A_33 : vector<512x4096xi32> to vector<512x4096xf32>
    %convert_element_type3A_35 = arith.truncf %convert_element_type3A_34 : vector<512x4096xf32> to vector<512x4096xf8E4M3FN>
    %swap3A_36 = arith.constant 0 : index
    %swap3A_37 = arith.constant 0 : index
    %swap3A_38 = vector.load %arg7[%swap3A_36, %swap3A_37] : memref<512x4096xf8E4M3FN, #tpu.memory_space<vmem>>, vector<512x4096xf8E4M3FN>
    tpu.vector_store %arg7[%swap3A_36, %swap3A_37], %convert_element_type3A_35 {strides = array<i32>} : memref<512x4096xf8E4M3FN, #tpu.memory_space<vmem>>, vector<512x4096xf8E4M3FN>,
    return
  }
  func.func @transform_0(%arg0: i32) -> (i32, i32) {
    %c0_i32 = arith.constant 0 : i32
    %c0_i32_0 = arith.constant 0 : i32
    %c0_i32_1 = arith.constant 0 : i32
    return %c0_i32, %c0_i32_0 : i32, i32
  }
  func.func @transform_1(%arg0: i32) -> (i32, i32) {
    %c0_i32 = arith.constant 0 : i32
    %c0_i32_0 = arith.constant 0 : i32
    return %arg0, %c0_i32 : i32, i32
  }
  func.func @transform_2(%arg0: i32) -> (i32, i32) {
    %c0_i32 = arith.constant 0 : i32
    %c0_i32_0 = arith.constant 0 : i32
    return %arg0, %c0_i32 : i32, i32
  }
  func.func @transform_3(%arg0: i32) -> (i32, i32) {
    %c0_i32 = arith.constant 0 : i32
    %c0_i32_0 = arith.constant 0 : i32
    return %arg0, %c0_i32 : i32, i32
  }
  func.func @transform_4(%arg0: i32) -> (i32, i32) {
    %c0_i32 = arith.constant 0 : i32
    %c0_i32_0 = arith.constant 0 : i32
    return %arg0, %c0_i32 : i32, i32
  }
  func.func @transform_5(%arg0: i32) -> (i32, i32) {
    %c0_i32 = arith.constant 0 : i32
    %c0_i32_0 = arith.constant 0 : i32
    return %arg0, %c0_i32 : i32, i32
  }
  func.func @transform_6(%arg0: i32) -> (i32, i32) {
    %c0_i32 = arith.constant 0 : i32
    %c0_i32_0 = arith.constant 0 : i32
    return %arg0, %c0_i32 : i32, i32
  }
}

module attributes {stable_mosaic.version = 14 : i64} {
  func.func @_build_a_kernel(%arg0: i32, %arg1: memref<1x4096xi32, #tpu.memory_space<vmem>>, %arg2: memref<4096x512xf8E4M3FN, #tpu.memory_space<vmem>>, %arg3: memref<2048x512xf8E4M3FN, #tpu.memory_space<vmem>>, %arg4: memref<2048x4096xf8E4M3FN, #tpu.memory_space<vmem>>) attributes {dimension_semantics = [#tpu.dimension_semantics<arbitrary>], iteration_bounds = array<i64: 8>, scalar_prefetch = 0 : i64, scratch_operands = 1 : i64, tpu.core_type = #tpu.core_type<tc>, window_params = [{pipeline_mode = #tpu.pipeline_mode<synchronous>, transform_indices = @transform_0, window_bounds = array<i64: 1, 4096>}, {transform_indices = @transform_1, window_bounds = array<i64: 4096, 512>}, {transform_indices = @transform_2, window_bounds = array<i64: 2048, 512>}]} {
    %eq3A = arith.constant 0 : i32
    %eq3A_0 = arith.cmpi eq, %arg0, %eq3A : i32
    %convert_element_type3A = arith.extui %eq3A_0 : i1 to i32
    %cond3A = arith.constant 0 : i32
    %cond3A_1 = arith.cmpi ne, %convert_element_type3A, %cond3A : i32
    scf.if %cond3A_1 {
      %get3A_11 = arith.constant 0 : index
      %get3A_12 = arith.constant 0 : index
      %get3A_13 = vector.load %arg1[%get3A_11, %get3A_12] : memref<1x4096xi32, #tpu.memory_space<vmem>>, vector<1x4096xi32>
      %iota3A = tpu.iota {dimensions = array<i32: 0>} : vector<512x4096xi32>
      %add3A = arith.constant 0 : i32
      %add3A_14 = vector.broadcast %add3A : i32 to vector<512x4096xi32>
      %add3A_15 = arith.addi %iota3A, %add3A_14 : vector<512x4096xi32>
      %eq3A_16 = vector.broadcast %get3A_13 : vector<1x4096xi32> to vector<512x4096xi32>
      %eq3A_17 = arith.cmpi eq, %eq3A_16, %add3A_15 : vector<512x4096xi32>
      %convert_element_type3A_18 = arith.extui %eq3A_17 : vector<512x4096xi1> to vector<512x4096xi32>
      %convert_element_type3A_19 = arith.sitofp %convert_element_type3A_18 : vector<512x4096xi32> to vector<512x4096xf32>
      %convert_element_type3A_20 = arith.truncf %convert_element_type3A_19 : vector<512x4096xf32> to vector<512x4096xf8E4M3FN>
      %swap3A_21 = arith.constant 0 : index
      %swap3A_22 = arith.constant 0 : index
      %swap3A_23 = vector.load %arg4[%swap3A_21, %swap3A_22] : memref<2048x4096xf8E4M3FN, #tpu.memory_space<vmem>>, vector<512x4096xf8E4M3FN>
      tpu.vector_store %arg4[%swap3A_21, %swap3A_22], %convert_element_type3A_20 {strides = array<i32>} : memref<2048x4096xf8E4M3FN, #tpu.memory_space<vmem>>, vector<512x4096xf8E4M3FN>,
      %iota3A_24 = tpu.iota {dimensions = array<i32: 0>} : vector<512x4096xi32>
      %add3A_25 = arith.constant 512 : i32
      %add3A_26 = vector.broadcast %add3A_25 : i32 to vector<512x4096xi32>
      %add3A_27 = arith.addi %iota3A_24, %add3A_26 : vector<512x4096xi32>
      %eq3A_28 = vector.broadcast %get3A_13 : vector<1x4096xi32> to vector<512x4096xi32>
      %eq3A_29 = arith.cmpi eq, %eq3A_28, %add3A_27 : vector<512x4096xi32>
      %convert_element_type3A_30 = arith.extui %eq3A_29 : vector<512x4096xi1> to vector<512x4096xi32>
      %convert_element_type3A_31 = arith.sitofp %convert_element_type3A_30 : vector<512x4096xi32> to vector<512x4096xf32>
      %convert_element_type3A_32 = arith.truncf %convert_element_type3A_31 : vector<512x4096xf32> to vector<512x4096xf8E4M3FN>
      %swap3A_33 = arith.constant 512 : index
      %swap3A_34 = arith.constant 0 : index
      %swap3A_35 = vector.load %arg4[%swap3A_33, %swap3A_34] : memref<2048x4096xf8E4M3FN, #tpu.memory_space<vmem>>, vector<512x4096xf8E4M3FN>
      tpu.vector_store %arg4[%swap3A_33, %swap3A_34], %convert_element_type3A_32 {strides = array<i32>} : memref<2048x4096xf8E4M3FN, #tpu.memory_space<vmem>>, vector<512x4096xf8E4M3FN>,
      %iota3A_36 = tpu.iota {dimensions = array<i32: 0>} : vector<512x4096xi32>
      %add3A_37 = arith.constant 1024 : i32
      %add3A_38 = vector.broadcast %add3A_37 : i32 to vector<512x4096xi32>
      %add3A_39 = arith.addi %iota3A_36, %add3A_38 : vector<512x4096xi32>
      %eq3A_40 = vector.broadcast %get3A_13 : vector<1x4096xi32> to vector<512x4096xi32>
      %eq3A_41 = arith.cmpi eq, %eq3A_40, %add3A_39 : vector<512x4096xi32>
      %convert_element_type3A_42 = arith.extui %eq3A_41 : vector<512x4096xi1> to vector<512x4096xi32>
      %convert_element_type3A_43 = arith.sitofp %convert_element_type3A_42 : vector<512x4096xi32> to vector<512x4096xf32>
      %convert_element_type3A_44 = arith.truncf %convert_element_type3A_43 : vector<512x4096xf32> to vector<512x4096xf8E4M3FN>
      %swap3A_45 = arith.constant 1024 : index
      %swap3A_46 = arith.constant 0 : index
      %swap3A_47 = vector.load %arg4[%swap3A_45, %swap3A_46] : memref<2048x4096xf8E4M3FN, #tpu.memory_space<vmem>>, vector<512x4096xf8E4M3FN>
      tpu.vector_store %arg4[%swap3A_45, %swap3A_46], %convert_element_type3A_44 {strides = array<i32>} : memref<2048x4096xf8E4M3FN, #tpu.memory_space<vmem>>, vector<512x4096xf8E4M3FN>,
      %iota3A_48 = tpu.iota {dimensions = array<i32: 0>} : vector<512x4096xi32>
      %add3A_49 = arith.constant 1536 : i32
      %add3A_50 = vector.broadcast %add3A_49 : i32 to vector<512x4096xi32>
      %add3A_51 = arith.addi %iota3A_48, %add3A_50 : vector<512x4096xi32>
      %eq3A_52 = vector.broadcast %get3A_13 : vector<1x4096xi32> to vector<512x4096xi32>
      %eq3A_53 = arith.cmpi eq, %eq3A_52, %add3A_51 : vector<512x4096xi32>
      %convert_element_type3A_54 = arith.extui %eq3A_53 : vector<512x4096xi1> to vector<512x4096xi32>
      %convert_element_type3A_55 = arith.sitofp %convert_element_type3A_54 : vector<512x4096xi32> to vector<512x4096xf32>
      %convert_element_type3A_56 = arith.truncf %convert_element_type3A_55 : vector<512x4096xf32> to vector<512x4096xf8E4M3FN>
      %swap3A_57 = arith.constant 1536 : index
      %swap3A_58 = arith.constant 0 : index
      %swap3A_59 = vector.load %arg4[%swap3A_57, %swap3A_58] : memref<2048x4096xf8E4M3FN, #tpu.memory_space<vmem>>, vector<512x4096xf8E4M3FN>
      tpu.vector_store %arg4[%swap3A_57, %swap3A_58], %convert_element_type3A_56 {strides = array<i32>} : memref<2048x4096xf8E4M3FN, #tpu.memory_space<vmem>>, vector<512x4096xf8E4M3FN>,
    } else {
    }
    %get3A = arith.constant 0 : index
    %get3A_2 = arith.constant 0 : index
    %get3A_3 = vector.load %arg4[%get3A, %get3A_2] : memref<2048x4096xf8E4M3FN, #tpu.memory_space<vmem>>, vector<2048x4096xf8E4M3FN>
    %get3A_4 = arith.constant 0 : index
    %get3A_5 = arith.constant 0 : index
    %get3A_6 = vector.load %arg2[%get3A_4, %get3A_5] : memref<4096x512xf8E4M3FN, #tpu.memory_space<vmem>>, vector<4096x512xf8E4M3FN>
    %dot_general3A = arith.constant dense<0.000000e+00> : vector<2048x512xf32>
    %dot_general3A_7 = tpu.matmul %get3A_3, %get3A_6, %dot_general3A {dimension_numbers = #tpu.dot_dimension_numbers<[1], [0], [0], [1], [0, 0, 1, 1], [], []>, transpose_lhs_hint = false} : vector<2048x4096xf8E4M3FN>, vector<4096x512xf8E4M3FN>, vector<2048x512xf32> -> vector<2048x512xf32>
    %convert_element_type3A_8 = arith.truncf %dot_general3A_7 : vector<2048x512xf32> to vector<2048x512xf8E4M3FN>
    %swap3A = arith.constant 0 : index
    %swap3A_9 = arith.constant 0 : index
    %swap3A_10 = vector.load %arg3[%swap3A, %swap3A_9] : memref<2048x512xf8E4M3FN, #tpu.memory_space<vmem>>, vector<2048x512xf8E4M3FN>
    tpu.vector_store %arg3[%swap3A, %swap3A_9], %convert_element_type3A_8 {strides = array<i32>} : memref<2048x512xf8E4M3FN, #tpu.memory_space<vmem>>, vector<2048x512xf8E4M3FN>,
    return
  }
  func.func @transform_0(%arg0: i32) -> (i32, i32) {
    %c0_i32 = arith.constant 0 : i32
    %c0_i32_0 = arith.constant 0 : i32
    %c0_i32_1 = arith.constant 0 : i32
    return %c0_i32, %c0_i32_0 : i32, i32
  }
  func.func @transform_1(%arg0: i32) -> (i32, i32) {
    %c0_i32 = arith.constant 0 : i32
    %c0_i32_0 = arith.constant 0 : i32
    return %c0_i32, %arg0 : i32, i32
  }
  func.func @transform_2(%arg0: i32) -> (i32, i32) {
    %c0_i32 = arith.constant 0 : i32
    %c0_i32_0 = arith.constant 0 : i32
    return %c0_i32, %arg0 : i32, i32
  }
}

module attributes {stable_mosaic.version = 14 : i64} {
  func.func @_twohop_kernel(%arg0: i32, %arg1: memref<2048x4096xf8E4M3FN, #tpu.memory_space<vmem>>, %arg2: memref<4096x512xf8E4M3FN, #tpu.memory_space<vmem>>, %arg3: memref<1x4096xi32, #tpu.memory_space<vmem>>, %arg4: memref<4096x1xi32, #tpu.memory_space<vmem>>, %arg5: memref<2048x512xf32, #tpu.memory_space<vmem>>, %arg6: memref<1x512xi32, #tpu.memory_space<vmem>>, %arg7: memref<2048x4096xf8E4M3FN, #tpu.memory_space<vmem>>, %arg8: memref<1x2048xf32, #tpu.memory_space<vmem>>) attributes {dimension_semantics = [#tpu.dimension_semantics<arbitrary>], iteration_bounds = array<i64: 12>, scalar_prefetch = 0 : i64, scratch_operands = 2 : i64, tpu.core_type = #tpu.core_type<tc>, window_params = [{pipeline_mode = #tpu.pipeline_mode<synchronous>, transform_indices = @transform_0, window_bounds = array<i64: 2048, 4096>}, {transform_indices = @transform_1, window_bounds = array<i64: 4096, 512>}, {pipeline_mode = #tpu.pipeline_mode<synchronous>, transform_indices = @transform_2, window_bounds = array<i64: 1, 4096>}, {pipeline_mode = #tpu.pipeline_mode<synchronous>, transform_indices = @transform_3, window_bounds = array<i64: 4096, 1>}, {transform_indices = @transform_4, window_bounds = array<i64: 2048, 512>}, {transform_indices = @transform_5, window_bounds = array<i64: 1, 512>}]} {
    %lt3A = arith.constant 8 : i32
    %lt3A_0 = arith.cmpi slt, %arg0, %lt3A : i32
    %convert_element_type3A = arith.extui %lt3A_0 : i1 to i32
    %cond3A = arith.constant 0 : i32
    %cond3A_1 = arith.cmpi ne, %convert_element_type3A, %cond3A : i32
    scf.if %cond3A_1 {
      %get3A = arith.constant 0 : index
      %get3A_10 = arith.constant 0 : index
      %get3A_11 = vector.load %arg1[%get3A, %get3A_10] : memref<2048x4096xf8E4M3FN, #tpu.memory_space<vmem>>, vector<2048x4096xf8E4M3FN>
      %get3A_12 = arith.constant 0 : index
      %get3A_13 = arith.constant 0 : index
      %get3A_14 = vector.load %arg2[%get3A_12, %get3A_13] : memref<4096x512xf8E4M3FN, #tpu.memory_space<vmem>>, vector<4096x512xf8E4M3FN>
      %dot_general3A = arith.constant dense<0.000000e+00> : vector<2048x512xf32>
      %dot_general3A_15 = tpu.matmul %get3A_11, %get3A_14, %dot_general3A {dimension_numbers = #tpu.dot_dimension_numbers<[1], [0], [0], [1], [0, 0, 1, 1], [], []>, transpose_lhs_hint = false} : vector<2048x4096xf8E4M3FN>, vector<4096x512xf8E4M3FN>, vector<2048x512xf32> -> vector<2048x512xf32>
      %ne3A = arith.constant 0.000000e+00 : f32
      %ne3A_16 = vector.broadcast %ne3A : f32 to vector<2048x512xf32>
      %ne3A_17 = arith.cmpf one, %dot_general3A_15, %ne3A_16 : vector<2048x512xf32>
      %convert_element_type3A_18 = arith.extui %ne3A_17 : vector<2048x512xi1> to vector<2048x512xi32>
      %convert_element_type3A_19 = arith.sitofp %convert_element_type3A_18 : vector<2048x512xi32> to vector<2048x512xf32>
      %convert_element_type3A_20 = arith.truncf %convert_element_type3A_19 : vector<2048x512xf32> to vector<2048x512xf8E4M3FN>
      %mul3A = arith.constant 512 : i32
      %mul3A_21 = arith.muli %arg0, %mul3A : i32
      %swap3A = arith.constant 0 : index
      %swap3A_22 = arith.index_cast %mul3A_21 : i32 to index
      %swap3A_23 = vector.load %arg7[%swap3A, %swap3A_22] : memref<2048x4096xf8E4M3FN, #tpu.memory_space<vmem>>, vector<2048x512xf8E4M3FN>
      tpu.vector_store %arg7[%swap3A, %swap3A_22], %convert_element_type3A_20 {strides = array<i32>} : memref<2048x4096xf8E4M3FN, #tpu.memory_space<vmem>>, vector<2048x512xf8E4M3FN>,
    } else {
    }
    %eq3A = arith.constant 7 : i32
    %eq3A_2 = arith.cmpi eq, %arg0, %eq3A : i32
    %convert_element_type3A_3 = arith.extui %eq3A_2 : i1 to i32
    %cond3A_4 = arith.constant 0 : i32
    %cond3A_5 = arith.cmpi ne, %convert_element_type3A_3, %cond3A_4 : i32
    scf.if %cond3A_5 {
      %get3A = arith.constant 0 : index
      %get3A_10 = arith.constant 0 : index
      %get3A_11 = vector.load %arg3[%get3A, %get3A_10] : memref<1x4096xi32, #tpu.memory_space<vmem>>, vector<1x4096xi32>
      %lt3A_12 = arith.constant 2048 : i32
      %lt3A_13 = vector.broadcast %lt3A_12 : i32 to vector<1x4096xi32>
      %lt3A_14 = arith.cmpi slt, %get3A_11, %lt3A_13 : vector<1x4096xi32>
      %convert_element_type3A_15 = arith.extui %lt3A_14 : vector<1x4096xi1> to vector<1x4096xi32>
      %convert_element_type3A_16 = arith.sitofp %convert_element_type3A_15 : vector<1x4096xi32> to vector<1x4096xf32>
      %convert_element_type3A_17 = arith.truncf %convert_element_type3A_16 : vector<1x4096xf32> to vector<1x4096xf8E4M3FN>
      %get3A_18 = arith.constant 0 : index
      %get3A_19 = arith.constant 0 : index
      %get3A_20 = vector.load %arg7[%get3A_18, %get3A_19] : memref<2048x4096xf8E4M3FN, #tpu.memory_space<vmem>>, vector<2048x4096xf8E4M3FN>
      %dot_general3A = arith.constant dense<0.000000e+00> : vector<1x2048xf32>
      %dot_general3A_21 = tpu.matmul %convert_element_type3A_17, %get3A_20, %dot_general3A {dimension_numbers = #tpu.dot_dimension_numbers<[1], [1], [0], [0], [0, 0, 1, 0], [], []>, transpose_lhs_hint = false} : vector<1x4096xf8E4M3FN>, vector<2048x4096xf8E4M3FN>, vector<1x2048xf32> -> vector<1x2048xf32>
      %swap3A = arith.constant 0 : index
      %swap3A_22 = arith.constant 0 : index
      %swap3A_23 = vector.load %arg8[%swap3A, %swap3A_22] : memref<1x2048xf32, #tpu.memory_space<vmem>>, vector<1x2048xf32>
      tpu.vector_store %arg8[%swap3A, %swap3A_22], %dot_general3A_21 {strides = array<i32>} : memref<1x2048xf32, #tpu.memory_space<vmem>>, vector<1x2048xf32>,
    } else {
    }
    %ge3A = arith.constant 8 : i32
    %ge3A_6 = arith.cmpi sge, %arg0, %ge3A : i32
    %convert_element_type3A_7 = arith.extui %ge3A_6 : i1 to i32
    %cond3A_8 = arith.constant 0 : i32
    %cond3A_9 = arith.cmpi ne, %convert_element_type3A_7, %cond3A_8 : i32
    scf.if %cond3A_9 {
      %sub3A = arith.constant 8 : i32
      %sub3A_10 = arith.subi %arg0, %sub3A : i32
      %get3A = arith.constant 0 : index
      %get3A_11 = arith.constant 0 : index
      %get3A_12 = vector.load %arg4[%get3A, %get3A_11] : memref<4096x1xi32, #tpu.memory_space<vmem>>, vector<4096x1xi32>
      %iota3A = tpu.iota {dimensions = array<i32: 1>} : vector<4096x512xi32>
      %mul3A = arith.constant 512 : i32
      %mul3A_13 = arith.muli %sub3A_10, %mul3A : i32
      %add3A = vector.broadcast %mul3A_13 : i32 to vector<4096x512xi32>
      %add3A_14 = arith.addi %iota3A, %add3A : vector<4096x512xi32>
      %eq3A_15 = vector.broadcast %get3A_12 : vector<4096x1xi32> to vector<4096x512xi32>
      %eq3A_16 = arith.cmpi eq, %eq3A_15, %add3A_14 : vector<4096x512xi32>
      %get3A_17 = arith.constant 0 : index
      %get3A_18 = arith.constant 0 : index
      %get3A_19 = vector.load %arg7[%get3A_17, %get3A_18] : memref<2048x4096xf8E4M3FN, #tpu.memory_space<vmem>>, vector<2048x4096xf8E4M3FN>
      %convert_element_type3A_20 = arith.extui %eq3A_16 : vector<4096x512xi1> to vector<4096x512xi32>
      %convert_element_type3A_21 = arith.sitofp %convert_element_type3A_20 : vector<4096x512xi32> to vector<4096x512xf32>
      %convert_element_type3A_22 = arith.truncf %convert_element_type3A_21 : vector<4096x512xf32> to vector<4096x512xf8E4M3FN>
      %dot_general3A = arith.constant dense<0.000000e+00> : vector<2048x512xf32>
      %dot_general3A_23 = tpu.matmul %get3A_19, %convert_element_type3A_22, %dot_general3A {dimension_numbers = #tpu.dot_dimension_numbers<[1], [0], [0], [1], [0, 0, 1, 1], [], []>, transpose_lhs_hint = false} : vector<2048x4096xf8E4M3FN>, vector<4096x512xf8E4M3FN>, vector<2048x512xf32> -> vector<2048x512xf32>
      %mul3A_24 = arith.constant 512 : i32
      %mul3A_25 = arith.muli %sub3A_10, %mul3A_24 : i32
      %get3A_26 = arith.constant 0 : index
      %get3A_27 = arith.index_cast %mul3A_25 : i32 to index
      %get3A_28 = vector.load %arg8[%get3A_26, %get3A_27] : memref<1x2048xf32, #tpu.memory_space<vmem>>, vector<1x512xf32>
      %div3A = vector.broadcast %get3A_28 : vector<1x512xf32> to vector<2048x512xf32>
      %div3A_29 = arith.divf %dot_general3A_23, %div3A : vector<2048x512xf32>
      %swap3A = arith.constant 0 : index
      %swap3A_30 = arith.constant 0 : index
      %swap3A_31 = vector.load %arg5[%swap3A, %swap3A_30] : memref<2048x512xf32, #tpu.memory_space<vmem>>, vector<2048x512xf32>
      tpu.vector_store %arg5[%swap3A, %swap3A_30], %div3A_29 {strides = array<i32>} : memref<2048x512xf32, #tpu.memory_space<vmem>>, vector<2048x512xf32>,
      %iota3A_32 = tpu.iota {dimensions = array<i32: 0>} : vector<4096x512xi32>
      %jit3A = arith.constant 0 : i32
      %broadcast_in_dim3A = vector.broadcast %jit3A : i32 to vector<4096x512xi32>
      %select_n3A = arith.select %eq3A_16, %iota3A_32, %broadcast_in_dim3A : vector<4096x512xi1>, vector<4096x512xi32>
      %reduce_sum3A = arith.constant dense<0> : vector<512xi32>
      %reduce_sum3A_33 = vector.multi_reduction <add>, %select_n3A, %reduce_sum3A [0] : vector<4096x512xi32> to vector<512xi32>
      %broadcast_in_dim3A_34 = vector.shape_cast %reduce_sum3A_33 : vector<512xi32> to vector<1x512xi32>
      %swap3A_35 = arith.constant 0 : index
      %swap3A_36 = arith.constant 0 : index
      %swap3A_37 = vector.load %arg6[%swap3A_35, %swap3A_36] : memref<1x512xi32, #tpu.memory_space<vmem>>, vector<1x512xi32>
      tpu.vector_store %arg6[%swap3A_35, %swap3A_36], %broadcast_in_dim3A_34 {strides = array<i32>} : memref<1x512xi32, #tpu.memory_space<vmem>>, vector<1x512xi32>,
    } else {
    }
    return
  }
  func.func @transform_0(%arg0: i32) -> (i32, i32) {
    %c0_i32 = arith.constant 0 : i32
    %c0_i32_0 = arith.constant 0 : i32
    %c0_i32_1 = arith.constant 0 : i32
    return %c0_i32, %c0_i32_0 : i32, i32
  }
  func.func @transform_1(%arg0: i32) -> (i32, i32) {
    %min3A = arith.constant 7 : i32
    %min3A_0 = arith.minsi %arg0, %min3A : i32
    %c0_i32 = arith.constant 0 : i32
    %c0_i32_1 = arith.constant 0 : i32
    return %c0_i32, %min3A_0 : i32, i32
  }
  func.func @transform_2(%arg0: i32) -> (i32, i32) {
    %c0_i32 = arith.constant 0 : i32
    %c0_i32_0 = arith.constant 0 : i32
    %c0_i32_1 = arith.constant 0 : i32
    return %c0_i32, %c0_i32_0 : i32, i32
  }
  func.func @transform_3(%arg0: i32) -> (i32, i32) {
    %c0_i32 = arith.constant 0 : i32
    %c0_i32_0 = arith.constant 0 : i32
    %c0_i32_1 = arith.constant 0 : i32
    return %c0_i32, %c0_i32_0 : i32, i32
  }
  func.func @transform_4(%arg0: i32) -> (i32, i32) {
    %sub3A = arith.constant 8 : i32
    %sub3A_0 = arith.subi %arg0, %sub3A : i32
    %max3A = arith.constant 0 : i32
    %max3A_1 = arith.maxsi %sub3A_0, %max3A : i32
    %c0_i32 = arith.constant 0 : i32
    %c0_i32_2 = arith.constant 0 : i32
    return %c0_i32, %max3A_1 : i32, i32
  }
  func.func @transform_5(%arg0: i32) -> (i32, i32) {
    %sub3A = arith.constant 8 : i32
    %sub3A_0 = arith.subi %arg0, %sub3A : i32
    %max3A = arith.constant 0 : i32
    %max3A_1 = arith.maxsi %sub3A_0, %max3A : i32
    %c0_i32 = arith.constant 0 : i32
    %c0_i32_2 = arith.constant 0 : i32
    return %c0_i32, %max3A_1 : i32, i32
  }
}

</mosaic_0001>

<sc_bundles>
// kernel: kernel.6.cloned.1.call-start
scs
__scs_entry_jumppad:
0x0: {  	(pc) =	sbr.rel $0x88, $3  }
0x1: {  	(tag) =	ssettag $0x0;
	lr =	simm.s32 $0x1  }
0x2: {  	[smem:$0x3F9D] =	sst lr;
	_ =	strace $0xD0000000  }
0x3: {  	_ = 	snop  }
0x4: {  	_ = 	snop  }
0x5: {  	_ = 	snop  }
0x6: {  	_ = 	snop  }
0x7: {  	_ = 	snop  }
__scs_overlays_trampoline_lowered:
0x8: {  	[smem:$0x3FAC] =	sst s0  }
0x9: {  	[smem:$0x3FAD] =	sst s1  }
0xa: {  	[smem:$0x3FAE] =	sst s2  }
0xb: {  	[smem:$0x3FAF] =	sst s3  }
0xc: {  	[smem:$0x3FB0] =	sst s4  }
0xd: {  	[smem:$0x3FB1] =	sst s5  }
0xe: {  	[smem:$0x3FB2] =	sst s6  }
0xf: {  	[smem:$0x3FB3] =	sst s7  }
0x10: {  	[smem:$0x3FB4] =	sst s8  }
0x11: {  	[smem:$0x3FB5] =	sst s9;
	s0 =	simm.s32 @!p0 $0x0  }
0x12: {  	s1 =	sld [smem:$0x3F9B];
	s0 =	simm.s32 @p0 $0x1  }
0x13: {  	[smem:$0x3FB6] =	sst s0;
	s0 =	simm.s32 @!p1 $0x0  }
0x14: {  	s2 =	sld [smem:$0x3F9A];
	s0 =	simm.s32 @p1 $0x1  }
0x15: {  	[smem:$0x3FB7] =	sst s0;
	s0 =	simm.s32 @!p2 $0x0  }
0x16: {  	s3 =	sld [smem:$0x3FDB];
	s0 =	simm.s32 @p2 $0x1  }
0x17: {  	s4 =	simm.s32 $0x1BF5;
	[smem:$0x3FB9] =	sst s0  }
0x18: {  	s0 =	sld [smem:$0x3F9C];
	_ =	swait.ge [sflag:s4], $0x0  }
0x19: {  	s7 =	sld [smem:$0x3F9D]  }
0x1a: {  	s8 =	sadd.s32 $0xFFFFE003, lr  }
0x1b: {  	s9 =	sadd.s32 $0xFFFFFEF7, lr;
	s5 =	simm.s32 $0xFFFFFFFF;
	p2 =	slt.u32 s8, $0xFFFFF086  }
0x1c: {  	p1 =	slt.u32 s9, $0xF7A;
	s5 =	simm.s32 @!p2 $0x0  }
0x1d: {  	s5 =	simm.s32 @p1 $0x1;
	p0 =	seq.s32 s7, s2  }
0x1e: {  	s7 =	smul.u32 @!p0 $0xF7A, s2;
	p2 =	seq.s32 @!p0 s5, $0x0  }
0x1f: {  	s9 =	smul.u32 $0xF7A, s1;
	s8 =	simm.s32 @!p0 $0x1BF5;
	p2 =	por !p2, p0  }
0x20: {  	[sflag:s8] =	ssyncset.s32 @!p0 $0xFFFFF086;
	s6 =	sadd.s32 @!p0 s3, s7;
	s7 =	simm.s32 @!p0 $0x108  }
0x21: {  	s3 =	sadd.s32 s3, s9;
	s6 =	sadd.s32 @!p0 $0x88, s6;
	s7 =	simm.s32 @p2 $0x1082  }
0x22: {  	[simem:s7], [sflag:s8] =	dma.local @!p0 [hbm:s6], $0xF7A  }
0x23: {  	s9 =	sor.u32 $0xD0000000, s2;
	s6 =	simm.s32 $0x108;
	_ =	swait.ge @!p0 [sflag:s8], $0x0  }
0x24: {  	s3 =	sadd.s32 $0x88, s3;
	s6 =	simm.s32 @!p1 $0x1082;
	[sflag:s4] =	ssyncset.s32 $0xFFFFF086  }
0x25: {  	[simem:s6], [sflag:s4] =	dma.local [hbm:s3], $0xF7A  }
0x26: {  	[smem:$0x3F9D] =	sst s1;
	(tag) =	ssettag s2;
	_ =	strace s9  }
0x27: {  	s1 =	sld [smem:$0x3FAD]  }
0x28: {  	s2 =	sld [smem:$0x3FAE]  }
0x29: {  	s4 =	sld [smem:$0x3FB0]  }
0x2a: {  	p0 =	seq.s32 s5, $0x0;
	s5 =	sld [smem:$0x3FB1]  }
0x2b: {  	s6 =	sld [smem:$0x3FB2]  }
0x2c: {  	s7 =	sld [smem:$0x3FB3]  }
0x2d: {  	s3 =	simm.s32 $0x108;
	s8 =	sld [smem:$0x3FB4]  }
0x2e: {  	s3 =	simm.s32 @!p0 $0x1082;
	s9 =	sld [smem:$0x3FB5]  }
0x2f: {  	lr =	sadd.s32 s0, s3;
	s0 =	sld [smem:$0x3FAC]  }
0x30: {  	s3 =	sld [smem:$0x3FAF]  }
0x31: {  	[smem:$0x3FB8] =	sst s10  }
0x32: {  	s10 =	sld [smem:$0x3FB6];
	_ =	sdelay $0x3  }
0x33: {  	p0 =	seq.s32 s10, $0x1;
	s10 =	sld [smem:$0x3FB8];
	_ =	sdelay $0x3  }
0x34: {  	[smem:$0x3FB8] =	sst s10  }
0x35: {  	s10 =	sld [smem:$0x3FB7];
	_ =	sdelay $0x3  }
0x36: {  	p1 =	seq.s32 s10, $0x1;
	s10 =	sld [smem:$0x3FB8];
	_ =	sdelay $0x3  }
0x37: {  	[smem:$0x3FB8] =	sst s10  }
0x38: {  	s10 =	sld [smem:$0x3FB9]  }
0x39: {  	_ = 	snop;
	(pc) =	sbr.ind lr, $3  }
0x3a: {  	_ = 	snop  }
0x3b: {  	_ = 	snop  }
0x3c: {  	p2 =	seq.s32 s10, $0x1;
	s10 =	sld [smem:$0x3FB8]  }
0x3d: {  	_ =	shalt  }
0x3e: {  	_ =	shalt  }
0x3f: {  	_ =	shalt  }
0x40: {  	_ =	shalt  }
0x41: {  	_ =	shalt  }
0x42: {  	_ =	shalt  }
0x43: {  	_ =	shalt  }
0x44: {  	_ =	shalt  }
0x45: {  	_ =	shalt  }
0x46: {  	_ =	shalt  }
0x47: {  	_ =	shalt  }
0x48: {  	_ =	shalt  }
0x49: {  	_ =	shalt  }
0x4a: {  	_ =	shalt  }
0x4b: {  	_ =	shalt  }
0x4c: {  	_ =	shalt  }
0x4d: {  	_ =	shalt  }
0x4e: {  	_ =	shalt  }
0x4f: {  	_ =	shalt  }
0x50: {  	_ =	shalt  }
0x51: {  	_ =	shalt  }
0x52: {  	_ =	shalt  }
0x53: {  	_ =	shalt  }
0x54: {  	_ =	shalt  }
0x55: {  	_ =	shalt  }
0x56: {  	_ =	shalt  }
0x57: {  	_ =	shalt  }
0x58: {  	_ =	shalt  }
0x59: {  	_ =	shalt  }
0x5a: {  	_ =	shalt  }
0x5b: {  	_ =	shalt  }
0x5c: {  	_ =	shalt  }
0x5d: {  	_ =	shalt  }
0x5e: {  	_ =	shalt  }
0x5f: {  	_ =	shalt  }
0x60: {  	_ =	shalt  }
0x61: {  	_ =	shalt  }
0x62: {  	_ =	shalt  }
0x63: {  	_ =	shalt  }
0x64: {  	_ =	shalt  }
0x65: {  	_ =	shalt  }
0x66: {  	_ =	shalt  }
0x67: {  	_ =	shalt  }
0x68: {  	_ =	shalt  }
0x69: {  	_ =	shalt  }
0x6a: {  	_ =	shalt  }
0x6b: {  	_ =	shalt  }
0x6c: {  	_ =	shalt  }
0x6d: {  	_ =	shalt  }
0x6e: {  	_ =	shalt  }
0x6f: {  	_ =	shalt  }
0x70: {  	_ =	shalt  }
0x71: {  	_ =	shalt  }
0x72: {  	_ =	shalt  }
0x73: {  	_ =	shalt  }
0x74: {  	_ =	shalt  }
0x75: {  	_ =	shalt  }
0x76: {  	_ =	shalt  }
0x77: {  	_ =	shalt  }
0x78: {  	_ =	shalt  }
0x79: {  	_ =	shalt  }
0x7a: {  	_ =	shalt  }
0x7b: {  	_ =	shalt  }
0x7c: {  	_ =	shalt  }
0x7d: {  	_ =	shalt  }
0x7e: {  	_ =	shalt  }
0x7f: {  	_ =	shalt  }
0x80: {  	_ =	shalt  }
0x81: {  	_ =	shalt  }
0x82: {  	_ =	shalt  }
0x83: {  	_ =	shalt  }
0x84: {  	_ =	shalt  }
0x85: {  	_ =	shalt  }
0x86: {  	_ =	shalt  }
0x87: {  	_ =	shalt  }
.Lfunc_end0:
.L_simem_size_0:
called_computation_lowered:
.L_overlay_start_0:
0x88: {  	s2 =	sld [smem:$0x3FD9]  }
0x89: {  	s3 =	sld [smem:$0x3FFE];
	_ =	sdelay $0x1  }
0x8a: {  	s1 =	srdreg.scid  }
0x8b: {  	s0 =	sand.u32 $0x1, s1  }
0x8c: {  	s14 =	sshll.u32 s0, $0xA;
	s2 =	sadd.s32 s3, s2  }
0x8d: {  	s2 =	sadd.s32 s2, s14  }
0x8e: {  	[smem:$0x3FC4] =	sst s2  }
0x8f: {  	_ = 	snop  }
0x90: {  	s2 =	sld [smem:$0x3FD0];
	_ =	sdelay $0x2  }
0x91: {  	s15 =	simm.s32 $0xA;
	s4 =	simm.s32 $0x10  }
0x92: {  	[smem:s4], [sflag:s15] =	dma.local [hbm:s2], $0x1  }
0x93: {  	_ =	swait.eq [sflag:s15], $0x1  }
0x94: {  	[sflag:s15] =	ssyncset.done $0x0  }
0x95: {  	[sflag:s15] =	ssyncadd.s32 $0xFFFFFFFF  }
0x96: {  	s16 =	sld [smem:$0x11];
	(tm) =	ssettm $0x1  }
0x97: {  	s17 =	sld [smem:$0x3FFB];
	_ =	sdelay $0x3  }
0x98: {  	_ =	strace s17  }
0x99: {  	s3 =	sld [smem:$0x3FFC];
	_ =	sdelay $0x3  }
0x9a: {  	_ =	strace s3  }
0x9b: {  	s3 =	sld [smem:$0x3FFD];
	_ =	sdelay $0x3  }
0x9c: {  	_ =	strace s3  }
0x9d: {  	_ =	strace $0x8FFFFFFF  }
0x9e: {  	s18 =	sld [smem:$0x3FDB];
	_ =	sdelay $0x1  }
0x9f: {  	s19 =	simm.s32 $_scs_section_size  }
0xa0: {  	s5 =	simm.s32 $_size__tile_overlayer_lowered;
	s6 =	simm.s32 $_tile_overlayer_lowered  }
0xa1: {  	s22 =	simm.s32 $0x1BFF;
	s21 =	sshll.u32 s6, $0x1;
	s3 =	sadd.s32 s19, s18  }
0xa2: {  	s7 =	simm.s32 $0x0;
	s20 =	sshll.u32 s5, $0x1;
	s5 =	sadd.s32 s21, s3  }
0xa3: {  	[timem:s7], [sflag:s22] =	dma.local [hbm:s5], s20  }
0xa4: {  	_ =	swait.ge [sflag:s22], s20  }
0xa5: {  	s4 =	ssub.s32 $0x0, s20;
	[sflag:s22] =	ssyncset.done $0x0  }
0xa6: {  	[sflag:s22] =	ssyncadd.s32 s4;
	_ =	sdelay $0x1  }
0xa7: {  	s23 =	simm.s32 $0x1B8B  }
0xa8: {  	_ =	swait.ge [sflag:s23], $0x1  }
0xa9: {  	[sflag:s23] =	ssyncset.done $0x0  }
0xaa: {  	s25 =	simm.s32 $0x1B8E;
	s24 =	sld [smem:$0x3FFE];
	[sflag:s23] =	ssyncadd.s32 $0xFFFFFFFF  }
0xab: {  	s26 =	simm.s32 $execute0_lowered;
	[smem:$0x3FD2] =	sst s25  }
0xac: {  	s5 =	sshll.u32 s26, $0x1;
	_ =	strace $0x80000046;
	[dreg:$0x1] =	wrdreg $0xFFFFFFFF  }
0xad: {  	s28 =	simm.s32 $_size_execute0_lowered;
	s3 =	sadd.s32 s3, s5;
	[dreg:$0x0] =	wrdreg $0x0  }
0xae: {  	s5 =	sshll.u32 s28, $0x1;
	[dreg:$0x2] =	wrdreg s3  }
0xaf: {  	[dreg:$0x3] =	wrdreg s5  }
0xb0: {  	[dreg:$0x4] =	wrdreg $0xC0  }
0xb1: {  	_ =	task [dreg:s7], $0x5FFFF  }
0xb2: {  	[dreg:$0x1] =	wrdreg $0xFFFFFFFF  }
0xb3: {  	[dreg:$0x0] =	wrdreg $0x60  }
0xb4: {  	[dreg:$0x2] =	wrdreg s24  }
0xb5: {  	[dreg:$0x3] =	wrdreg s16  }
0xb6: {  	[dreg:$0x4] =	wrdreg $0x9  }
0xb7: {  	_ =	task.clear_ibuf [dreg:s7], $0x5FFFF;
	_ =	strace $0x90000046  }
0xb8: {  	s29 =	simm.s32 $0x9;
	_ =	strace $0x8000004C  }
0xb9: {  	_ =	swait.ge [sflag:s29], $0x1  }
0xba: {  	[sflag:s29] =	ssyncadd.s32 $0xFFFFFFFF  }
0xbb: {  	_ =	strace $0x9000004C  }
0xbc: {  	_ =	sfence  }
0xbd: {  	s30 =	sld [smem:$0x0];
	_ =	sdelay $0x2  }
0xbe: {  	s31 =	sshll.u32 s1, $0xD;
	s1 =	sshrl.u32 s1, $0x2  }
0xbf: {  	s3 =	sand.u32 $0x4000, s31;
	s1 =	sadd.s32 s1, s30  }
0xc0: {  	s0 =	sor.u32 s3, s0;
	s1 =	sshll.u32 s1, $0x11  }
0xc1: {  	s0 =	sor.u32 s1, s0  }
0xc2: {  	s0 =	sadd.s32 $0x8F2B, s0  }
0xc3: {  	[sflag:s0] =	ssyncadd.remote.s32 $0x1  }
0xc4: {  	_ =	sfence.sel $0xFFFF  }
0xc5: {  	[dreg:$0x0] =	wrdreg $0xFFFFFFFF;
	(pc) =	sbr.abs _section_cstart, $3  }
0xc6: {  	[dreg:$0x1] =	wrdreg $0xFFFFFFFF  }
0xc7: {  	_ =	task.clear_ibuf [dreg:s7], $0x2FFFF;
	_ =	strace $0x9FFFFFFF  }
0xc8: {  	(tm) =	ssettm $0x7FFFFFFF  }
0xc9: {  	_ =	shalt  }
tec
execute0_lowered:
.L_overlay_start_1:
0x0: {  	(tag) =	ssettag $0x1  }
0x1: {  	s1 =	srdreg.scid  }
0x2: {  	s0 =	stileid.u32;
	s9 =	sand.u32 $0x1, s1  }
0x3: {  	s8 =	rddreg [dreg:$0x0];
	s5 =	sshll.u32 s0, $0x7;
	s3 =	sshll.u32 s9, $0xB  }
0x4: {  	s4 =	rddreg [dreg:$0x1];
	s2 =	simm.s32 $0x0;
	s5 =	sor.u32 s5, s3  }
0x5: {  	[smem:$0x7FF] =	sst s2;
	s3 =	sshll.u32 s5, $0x4  }
0x6: {  	s1 =	rddreg [dreg:$0x2];
	_ =	strace $0x80000047;
	s3 =	sadd.s32 s3, s8  }
0x7: {  	_ =	strace $0x80000048;
	s5 =	sshrl.u32 s5, $0x3;
	s3 =	sadd.s32 $0x80C00, s3  }
0x8: {  	[tilespmem:s2], [sflag:$0x1] =	stream.linear.gather [hbm4b:s3+s2], $0x4000, $0x200038;
	[tilespmem:$0x8100] =	vst v63  }
0x9: {  	s4 =	sadd.s32 s4, s5;
	s5 =	simm.s32 $0x8000  }
0xa: {  	[tilespmem:s5], [sflag:$0x3] =	stream.linear.gather [hbm4b:s4+s2], $0x80, $0x200038;
	[tilespmem:$0x8100] =	vst v63  }
0xb: {  	_ =	strace $0x90000048  }
0xc: {  	s6 =	simm.s32 $0x1;
	_ =	strace $0x80000049  }
0xd: {  	_ =	swait.ge [sflag:s6], $0x4000  }
0xe: {  	[sflag:s6] =	ssyncset.done $0x0  }
0xf: {  	[sflag:s6] =	ssyncadd.s32 $0xFFFFC000  }
0x10: {  	_ =	strace $0x90000049  }
0x11: {  	s7 =	simm.s32 $0x3;
	s9 =	ssub.s32 $0x2, s9;
	_ =	strace $0x8000004A  }
0x12: {  	s10 =	sshrl.u32 s9, $0x1;
	_ =	swait.ge [sflag:s7], $0x80  }
0x13: {  	s11 =	ssub.s32 s9, s10;
	[sflag:s7] =	ssyncset.done $0x0  }
0x14: {  	s9 =	simm.s32 $0x80;
	s11 =	smax.u32 s11, $0x1;
	[sflag:s7] =	ssyncadd.s32 $0xFFFFFF80  }
0x15: {  	s10 =	simm.s32 $0x5;
	p0 =	sne.s32 s11, $0x1;
	_ =	strace $0x9000004A  }
.Ltmp0:
0x16: {  	s8 =	sadd.s32 $0x90C00, s8;
	_ =	strace $0x8000004B;
	(pc) =	sbr.rel @!p0 .LBB2_2-.Ltmp0, $4  }
0x17: {  	[hbm4b:s8+s9] =	stream.indirect.scatter [tilespmem:s2], [sflag:$0x5], $0x80, s5, s9, $0x2000b8;
	[tilespmem:$0x8100] =	vst v63  }
0x18: {  	_ =	swait.ge [sflag:s10], $0x4000  }
0x19: {  	[sflag:s10] =	ssyncset.done $0x0  }
0x1a: {  	s11 =	sadd.s32 $0xFFFFFFFF, s11;
	[sflag:s10] =	ssyncadd.s32 $0xFFFFC000  }
.LBB2_1:
0x1b: {  	p0 =	sne.s32 s11, $0x1;
	s11 =	sadd.s32 $0xFFFFFFFF, s11;
	_ =	strace $0x9000004B  }
0x1c: {  	_ =	strace $0x80000048  }
0x1d: {  	[tilespmem:s2], [sflag:$0x1] =	stream.linear.gather [hbm4b:s3+s2], $0x4000, $0x200038;
	[tilespmem:$0x8100] =	vst v63  }
0x1e: {  	_ = 	snop  }
0x1f: {  	[tilespmem:s5], [sflag:$0x3] =	stream.linear.gather [hbm4b:s4+s2], $0x80, $0x200038;
	[tilespmem:$0x8100] =	vst v63  }
0x20: {  	_ =	strace $0x90000048  }
0x21: {  	_ =	strace $0x80000049  }
0x22: {  	_ =	swait.ge [sflag:s6], $0x4000  }
0x23: {  	[sflag:s6] =	ssyncset.done $0x0  }
0x24: {  	[sflag:s6] =	ssyncadd.s32 $0xFFFFC000  }
0x25: {  	_ =	strace $0x90000049  }
0x26: {  	_ =	strace $0x8000004A  }
0x27: {  	_ =	swait.ge [sflag:s7], $0x80  }
0x28: {  	[sflag:s7] =	ssyncset.done $0x0  }
0x29: {  	[sflag:s7] =	ssyncadd.s32 $0xFFFFFF80  }
0x2a: {  	_ =	strace $0x9000004A  }
.Ltmp1:
0x2b: {  	_ =	strace $0x8000004B;
	(pc) =	sbr.rel @p0 .LBB2_1-.Ltmp1, $4  }
0x2c: {  	[hbm4b:s8+s9] =	stream.indirect.scatter [tilespmem:s2], [sflag:$0x5], $0x80, s5, s9, $0x2000b8;
	[tilespmem:$0x8100] =	vst v63  }
0x2d: {  	_ =	swait.ge [sflag:s10], $0x4000  }
0x2e: {  	[sflag:s10] =	ssyncset.done $0x0  }
0x2f: {  	[sflag:s10] =	ssyncadd.s32 $0xFFFFC000  }
.LBB2_2:
0x30: {  	_ =	strace $0x9000004B  }
0x31: {  	_ =	sfence.sel $0x180000  }
0x32: {  	[bflag:$0x0] =	sbarrier.arrive $0xFFFF  }
0x33: {  	p0 =	sne.s32 s0, $0x0;
	_ =	strace $0x90000047  }
0x34: {  	s0 =	sadd.s32 @!p0 $0x100000, s1;
	[bflag:$0x2] =	sbarrier.arrive $0xFFFF  }
0x35: {  	[sflag:s0] =	ssyncadd.tile.s32 @!p0 $0x1;
	_ =	shalt  }
.Lfunc_end2:
_tile_overlayer_lowered:
.L_overlay_start_2:
0x36: {  	(tag) =	ssettag $0x2  }
0x37: {  	s0 =	rddreg [dreg:$0x0];
	s2 =	stileid.u32  }
0x38: {  	s1 =	rddreg [dreg:$0x1];
	p0 =	sne.s32 s2, $0x0  }
0x39: {  	s3 =	rddreg [dreg:$0x2];
	[bflag:$0x3] =	sbarrier.arrive $0xFFFF;
	s2 =	simm.s32 @!p0 $0x1C01  }
0x3a: {  	[timem:s3], [sflag:s2] =	dma.local @!p0 [hbm:s0], s1  }
0x3b: {  	s0 =	simm.s32 @!p0 $0x1  }
0x3c: {  	_ =	swait.ge @!p0 [sflag:s0], s1  }
0x3d: {  	s1 =	ssub.s32 @!p0 $0x0, s1;
	[sflag:s0] =	ssyncset.done @!p0 $0x0  }
0x3e: {  	[sflag:s0] =	ssyncadd.s32 @!p0 s1  }
0x3f: {  	[bflag:$0x3] =	sbarrier.arrive $0xFFFF  }
0x40: {  	_ =	shalt  }

</sc_bundles>
